<compile_context>
chip_gen: v7x
topology: tpu7x:2x2x1
jax: 0.10.2.dev20260603
libtpu: 0.0.44.dev20260713+nightly
codegen_flags: <defaults>
</compile_context>

<pallas_src>
import jax
import jax.numpy as jnp
from jax import lax
from jax.experimental import pallas as pl
from jax.experimental.pallas import tpu as pltpu
from jax.experimental.pallas import tpu_sc as plsc

_NCHAN = 69
_H, _W = 720, 361
_NWORK = 3
_STEPS = 12


def _src_channel(c):
    return jnp.where(
        c < 39, c,
        jnp.where(
            c == 39, 65,
            jnp.where(
                c == 40, 66,
                jnp.where(
                    c <= 53, c - 2,
                    jnp.where(c == 54, 67, jnp.where(c <= 67, c - 3, 68))))))


def _body(x_ref, out_ref, spm, gsem, ssem):
    cid = lax.axis_index("c")
    sid = lax.axis_index("s")
    nloc = 35 - cid

    @pl.when(sid < _NWORK)
    def _work():
        def chan(k):
            l = sid + _NWORK * k
            return l, cid + 2 * l

        def start_g(k):
            l, c = chan(k)

            @pl.when(l < nloc)
            def _():
                pltpu.async_copy(
                    x_ref.at[_src_channel(c)], spm.at[2 * sid + k % 2],
                    gsem.at[k % 2])

        def wait_g(k):
            l, _ = chan(k)

            @pl.when(l < nloc)
            def _():
                pltpu.make_async_copy(
                    x_ref.at[0], spm.at[2 * sid + k % 2],
                    gsem.at[k % 2]).wait()

        def start_s(k):
            l, c = chan(k)

            @pl.when(l < nloc)
            def _():
                pltpu.async_copy(
                    spm.at[2 * sid + k % 2], out_ref.at[c], ssem.at[k % 2])

        def wait_s(k):
            l, _ = chan(k)

            @pl.when(l < nloc)
            def _():
                pltpu.make_async_copy(
                    spm.at[2 * sid + k % 2], out_ref.at[0],
                    ssem.at[k % 2]).wait()

        start_g(0)
        for k in range(_STEPS):
            wait_g(k)
            start_s(k)
            if k + 1 < _STEPS:
                if k >= 1:
                    wait_s(k - 1)
                start_g(k + 1)
        wait_s(_STEPS - 2)
        wait_s(_STEPS - 1)


def kernel(x):
    xt = jnp.swapaxes(x, 1, 2)
    outt = pl.kernel(
        _body,
        out_type=jax.ShapeDtypeStruct((_NCHAN, _H, _W), jnp.float32),
        mesh=plsc.VectorSubcoreMesh(core_axis_name="c", subcore_axis_name="s"),
        scratch_types=[
            pltpu.VMEM_SHARED((2 * _NWORK, _H, _W), jnp.float32),
            pltpu.SemaphoreType.DMA((2,)),
            pltpu.SemaphoreType.DMA((2,)),
        ],
    )(xt)
    return jnp.swapaxes(outt, 1, 2)

# --- scband reference (transcript-rebuilt; emitter-appended) ---
"""Pipeline reference for scband-uvwwind-31516470018706 (READ-ONLY COPY).

The authoritative reference and input builder live on the scoring server;
editing this copy changes nothing except your own understanding.
"""

import jax, jax.numpy as jnp
import numpy as np

LEVELS = [50, 100, 150, 200, 250, 300, 400, 500, 600, 700, 850, 925, 1000]
VARS = ([f"geopotential_{l}" for l in LEVELS]
        + [f"temperature_{l}" for l in LEVELS]
        + [f"specific_humidity_{l}" for l in LEVELS]
        + [f"u_component_of_wind_{l}" for l in LEVELS]
        + [f"v_component_of_wind_{l}" for l in LEVELS]
        + ["2m_temperature", "mean_sea_level_pressure",
           "10m_u_component_of_wind", "10m_v_component_of_wind"])

UWIND_IDXS = jnp.asarray(np.array([i for i, v in enumerate(VARS) if 'u_component_of_wind' in v], dtype=np.int64))
VWIND_IDXS = jnp.asarray(np.array([i for i, v in enumerate(VARS) if 'v_component_of_wind' in v], dtype=np.int64))
NOWIND_IDXS = jnp.asarray(np.array([i for i, v in enumerate(VARS)
                                    if 'u_component_of_wind' not in v and 'v_component_of_wind' not in v],
                                   dtype=np.int64))

H, W = 361, 720


def setup_inputs(seed: int = 0) -> dict:
    key = jax.random.key(seed)
    x = jax.random.normal(key, (len(VARS), H, W), dtype=jnp.float32)
    return {"x": x}


def reference(x):
    # Faithful translation of UVWwind.forward: gather by index groups, then concat.
    uwind_stand = jnp.take(x, UWIND_IDXS, axis=0)
    vwind_stand = jnp.take(x, VWIND_IDXS, axis=0)
    nowind = jnp.take(x, NOWIND_IDXS, axis=0)
    return jnp.concatenate((nowind, uwind_stand, vwind_stand), axis=0)

if __name__ == "__main__":
    import jax
    _d = setup_inputs()
    print(jax.jit(kernel)(*tuple(_d.values())))

</pallas_src>

<mosaic_0001>
#map = affine_map<(d0, d1) -> (0, 0, 0)>
module attributes {stable_mosaic.version = 14 : i64} {
  func.func @_body(%arg0: i32, %arg1: i32, %arg2: memref<69x720x361xf32, #tpu.memory_space<hbm>>, %arg3: memref<69x720x361xf32, #tpu.memory_space<hbm>>, %arg4: memref<6x720x361xf32, #tpu.memory_space<vmem_shared>>, %arg5: memref<2x!tpu.dma_semaphore, #tpu.memory_space<semaphore_mem>>, %arg6: memref<2x!tpu.dma_semaphore, #tpu.memory_space<semaphore_mem>>) attributes {dimension_semantics = [#tpu.dimension_semantics<core_parallel>, #tpu.dimension_semantics<subcore_parallel>], iteration_bounds = array<i64: 2, 16>, scalar_prefetch = 0 : i64, scratch_operands = 3 : i64, tpu.core_type = #tpu.core_type<sc_vector_subcore>, window_params = [{transform_indices = #map}, {transform_indices = #map}]} {
    %sub3A = arith.constant 35 : i32
    %sub3A_0 = arith.subi %sub3A, %arg0 : i32
    %lt3A = arith.constant 3 : i32
    %lt3A_1 = arith.cmpi slt, %arg1, %lt3A : i32
    %convert_element_type3A = arith.extui %lt3A_1 : i1 to i32
    %cond3A = arith.constant 0 : i32
    %cond3A_2 = arith.cmpi ne, %convert_element_type3A, %cond3A : i32
    scf.if %cond3A_2 {
      %add3A = arith.constant 0 : i32
      %add3A_3 = arith.addi %arg1, %add3A : i32
      %mul3A = arith.constant 2 : i32
      %mul3A_4 = arith.muli %mul3A, %add3A_3 : i32
      %add3A_5 = arith.addi %arg0, %mul3A_4 : i32
      %lt3A_6 = arith.cmpi slt, %add3A_3, %sub3A_0 : i32
      %convert_element_type3A_7 = arith.extui %lt3A_6 : i1 to i32
      %cond3A_8 = arith.constant 0 : i32
      %cond3A_9 = arith.cmpi ne, %convert_element_type3A_7, %cond3A_8 : i32
      scf.if %cond3A_9 {
        %lt3A_433 = arith.constant 39 : i32
        %lt3A_434 = arith.cmpi slt, %add3A_5, %lt3A_433 : i32
        %eq3A = arith.constant 39 : i32
        %eq3A_435 = arith.cmpi eq, %add3A_5, %eq3A : i32
        %eq3A_436 = arith.constant 40 : i32
        %eq3A_437 = arith.cmpi eq, %add3A_5, %eq3A_436 : i32
        %le3A = arith.constant 53 : i32
        %le3A_438 = arith.cmpi sle, %add3A_5, %le3A : i32
        %sub3A_439 = arith.constant 2 : i32
        %sub3A_440 = arith.subi %add3A_5, %sub3A_439 : i32
        %eq3A_441 = arith.constant 54 : i32
        %eq3A_442 = arith.cmpi eq, %add3A_5, %eq3A_441 : i32
        %le3A_443 = arith.constant 67 : i32
        %le3A_444 = arith.cmpi sle, %add3A_5, %le3A_443 : i32
        %sub3A_445 = arith.constant 3 : i32
        %sub3A_446 = arith.subi %add3A_5, %sub3A_445 : i32
        %jit3A = arith.constant 68 : i32
        %select_n3A = arith.select %le3A_444, %sub3A_446, %jit3A : i32
        %jit3A_447 = arith.constant 67 : i32
        %select_n3A_448 = arith.select %eq3A_442, %jit3A_447, %select_n3A : i32
        %select_n3A_449 = arith.select %le3A_438, %sub3A_440, %select_n3A_448 : i32
        %jit3A_450 = arith.constant 66 : i32
        %select_n3A_451 = arith.select %eq3A_437, %jit3A_450, %select_n3A_449 : i32
        %jit3A_452 = arith.constant 65 : i32
        %select_n3A_453 = arith.select %eq3A_435, %jit3A_452, %select_n3A_451 : i32
        %select_n3A_454 = arith.select %lt3A_434, %add3A_5, %select_n3A_453 : i32
        %mul3A_455 = arith.constant 2 : i32
        %mul3A_456 = arith.muli %mul3A_455, %arg1 : i32
        %add3A_457 = arith.constant 0 : i32
        %add3A_458 = arith.addi %mul3A_456, %add3A_457 : i32
        %dma_start3A = arith.constant 0 : i32
        %dma_start3A_459 = tpu.memref_slice %arg5[%dma_start3A] : memref<2x!tpu.dma_semaphore, #tpu.memory_space<semaphore_mem>> -> memref<1x!tpu.dma_semaphore, #tpu.memory_space<semaphore_mem>>
        %dma_start3A_460 = tpu.memref_squeeze %dma_start3A_459 : memref<1x!tpu.dma_semaphore, #tpu.memory_space<semaphore_mem>> -> memref<!tpu.dma_semaphore, #tpu.memory_space<semaphore_mem>>
        %dma_start3A_461 = arith.constant 0 : i32
        %dma_start3A_462 = arith.constant 0 : i32
        %dma_start3A_463 = tpu.memref_slice %arg4[%add3A_458, %dma_start3A_461, %dma_start3A_462] : memref<6x720x361xf32, #tpu.memory_space<vmem_shared>> -> memref<1x720x361xf32, #tpu.memory_space<vmem_shared>>
        %dma_start3A_464 = tpu.memref_squeeze %dma_start3A_463 : memref<1x720x361xf32, #tpu.memory_space<vmem_shared>> -> memref<720x361xf32, #tpu.memory_space<vmem_shared>>
        %dma_start3A_465 = arith.constant 0 : i32
        %dma_start3A_466 = arith.constant 0 : i32
        %dma_start3A_467 = tpu.memref_slice %arg2[%select_n3A_454, %dma_start3A_465, %dma_start3A_466] : memref<69x720x361xf32, #tpu.memory_space<hbm>> -> memref<1x720x361xf32, #tpu.memory_space<hbm>>
        %dma_start3A_468 = tpu.memref_squeeze %dma_start3A_467 : memref<1x720x361xf32, #tpu.memory_space<hbm>> -> memref<720x361xf32, #tpu.memory_space<hbm>>
        tpu.enqueue_dma source(%dma_start3A_468 : memref<720x361xf32, #tpu.memory_space<hbm>>) target(%dma_start3A_464 : memref<720x361xf32, #tpu.memory_space<vmem_shared>>) target_semaphore(%dma_start3A_460 : memref<!tpu.dma_semaphore, #tpu.memory_space<semaphore_mem>>)
      } else {
      }
      %add3A_10 = arith.constant 0 : i32
      %add3A_11 = arith.addi %arg1, %add3A_10 : i32
      %mul3A_12 = arith.constant 2 : i32
      %mul3A_13 = arith.muli %mul3A_12, %add3A_11 : i32
      %add3A_14 = arith.addi %arg0, %mul3A_13 : i32
      %lt3A_15 = arith.cmpi slt, %add3A_11, %sub3A_0 : i32
      %convert_element_type3A_16 = arith.extui %lt3A_15 : i1 to i32
      %cond3A_17 = arith.constant 0 : i32
      %cond3A_18 = arith.cmpi ne, %convert_element_type3A_16, %cond3A_17 : i32
      scf.if %cond3A_18 {
        %mul3A_433 = arith.constant 2 : i32
        %mul3A_434 = arith.muli %mul3A_433, %arg1 : i32
        %add3A_435 = arith.constant 0 : i32
        %add3A_436 = arith.addi %mul3A_434, %add3A_435 : i32
        %dma_wait3A = arith.constant 0 : i32
        %dma_wait3A_437 = arith.constant 0 : i32
        %dma_wait3A_438 = tpu.memref_slice %arg5[%dma_wait3A_437] : memref<2x!tpu.dma_semaphore, #tpu.memory_space<semaphore_mem>> -> memref<1x!tpu.dma_semaphore, #tpu.memory_space<semaphore_mem>>
        %dma_wait3A_439 = tpu.memref_squeeze %dma_wait3A_438 : memref<1x!tpu.dma_semaphore, #tpu.memory_space<semaphore_mem>> -> memref<!tpu.dma_semaphore, #tpu.memory_space<semaphore_mem>>
        %dma_wait3A_440 = arith.constant 0 : i32
        %dma_wait3A_441 = arith.constant 0 : i32
        %dma_wait3A_442 = tpu.memref_slice %arg4[%add3A_436, %dma_wait3A_440, %dma_wait3A_441] : memref<6x720x361xf32, #tpu.memory_space<vmem_shared>> -> memref<1x720x361xf32, #tpu.memory_space<vmem_shared>>
        %dma_wait3A_443 = tpu.memref_squeeze %dma_wait3A_442 : memref<1x720x361xf32, #tpu.memory_space<vmem_shared>> -> memref<720x361xf32, #tpu.memory_space<vmem_shared>>
        %dma_wait3A_444 = arith.constant 0 : i32
        %dma_wait3A_445 = arith.constant 0 : i32
        %dma_wait3A_446 = tpu.memref_slice %arg2[%dma_wait3A, %dma_wait3A_444, %dma_wait3A_445] : memref<69x720x361xf32, #tpu.memory_space<hbm>> -> memref<1x720x361xf32, #tpu.memory_space<hbm>>
        %dma_wait3A_447 = tpu.memref_squeeze %dma_wait3A_446 : memref<1x720x361xf32, #tpu.memory_space<hbm>> -> memref<720x361xf32, #tpu.memory_space<hbm>>
        tpu.wait_dma2 semaphore(%dma_wait3A_439 : memref<!tpu.dma_semaphore, #tpu.memory_space<semaphore_mem>>) src(%dma_wait3A_447 : memref<720x361xf32, #tpu.memory_space<hbm>>) dst(%dma_wait3A_443 : memref<720x361xf32, #tpu.memory_space<vmem_shared>>)
      } else {
      }
      %add3A_19 = arith.constant 0 : i32
      %add3A_20 = arith.addi %arg1, %add3A_19 : i32
      %mul3A_21 = arith.constant 2 : i32
      %mul3A_22 = arith.muli %mul3A_21, %add3A_20 : i32
      %add3A_23 = arith.addi %arg0, %mul3A_22 : i32
      %lt3A_24 = arith.cmpi slt, %add3A_20, %sub3A_0 : i32
      %convert_element_type3A_25 = arith.extui %lt3A_24 : i1 to i32
      %cond3A_26 = arith.constant 0 : i32
      %cond3A_27 = arith.cmpi ne, %convert_element_type3A_25, %cond3A_26 : i32
      scf.if %cond3A_27 {
        %mul3A_433 = arith.constant 2 : i32
        %mul3A_434 = arith.muli %mul3A_433, %arg1 : i32
        %add3A_435 = arith.constant 0 : i32
        %add3A_436 = arith.addi %mul3A_434, %add3A_435 : i32
        %dma_start3A = arith.constant 0 : i32
        %dma_start3A_437 = tpu.memref_slice %arg6[%dma_start3A] : memref<2x!tpu.dma_semaphore, #tpu.memory_space<semaphore_mem>> -> memref<1x!tpu.dma_semaphore, #tpu.memory_space<semaphore_mem>>
        %dma_start3A_438 = tpu.memref_squeeze %dma_start3A_437 : memref<1x!tpu.dma_semaphore, #tpu.memory_space<semaphore_mem>> -> memref<!tpu.dma_semaphore, #tpu.memory_space<semaphore_mem>>
        %dma_start3A_439 = arith.constant 0 : i32
        %dma_start3A_440 = arith.constant 0 : i32
        %dma_start3A_441 = tpu.memref_slice %arg3[%add3A_23, %dma_start3A_439, %dma_start3A_440] : memref<69x720x361xf32, #tpu.memory_space<hbm>> -> memref<1x720x361xf32, #tpu.memory_space<hbm>>
        %dma_start3A_442 = tpu.memref_squeeze %dma_start3A_441 : memref<1x720x361xf32, #tpu.memory_space<hbm>> -> memref<720x361xf32, #tpu.memory_space<hbm>>
        %dma_start3A_443 = arith.constant 0 : i32
        %dma_start3A_444 = arith.constant 0 : i32
        %dma_start3A_445 = tpu.memref_slice %arg4[%add3A_436, %dma_start3A_443, %dma_start3A_444] : memref<6x720x361xf32, #tpu.memory_space<vmem_shared>> -> memref<1x720x361xf32, #tpu.memory_space<vmem_shared>>
        %dma_start3A_446 = tpu.memref_squeeze %dma_start3A_445 : memref<1x720x361xf32, #tpu.memory_space<vmem_shared>> -> memref<720x361xf32, #tpu.memory_space<vmem_shared>>
        tpu.enqueue_dma source(%dma_start3A_446 : memref<720x361xf32, #tpu.memory_space<vmem_shared>>) target(%dma_start3A_442 : memref<720x361xf32, #tpu.memory_space<hbm>>) target_semaphore(%dma_start3A_438 : memref<!tpu.dma_semaphore, #tpu.memory_space<semaphore_mem>>)
      } else {
      }
      %add3A_28 = arith.constant 3 : i32
      %add3A_29 = arith.addi %arg1, %add3A_28 : i32
      %mul3A_30 = arith.constant 2 : i32
      %mul3A_31 = arith.muli %mul3A_30, %add3A_29 : i32
      %add3A_32 = arith.addi %arg0, %mul3A_31 : i32
      %lt3A_33 = arith.cmpi slt, %add3A_29, %sub3A_0 : i32
      %convert_element_type3A_34 = arith.extui %lt3A_33 : i1 to i32
      %cond3A_35 = arith.constant 0 : i32
      %cond3A_36 = arith.cmpi ne, %convert_element_type3A_34, %cond3A_35 : i32
      scf.if %cond3A_36 {
        %lt3A_433 = arith.constant 39 : i32
        %lt3A_434 = arith.cmpi slt, %add3A_32, %lt3A_433 : i32
        %eq3A = arith.constant 39 : i32
        %eq3A_435 = arith.cmpi eq, %add3A_32, %eq3A : i32
        %eq3A_436 = arith.constant 40 : i32
        %eq3A_437 = arith.cmpi eq, %add3A_32, %eq3A_436 : i32
        %le3A = arith.constant 53 : i32
        %le3A_438 = arith.cmpi sle, %add3A_32, %le3A : i32
        %sub3A_439 = arith.constant 2 : i32
        %sub3A_440 = arith.subi %add3A_32, %sub3A_439 : i32
        %eq3A_441 = arith.constant 54 : i32
        %eq3A_442 = arith.cmpi eq, %add3A_32, %eq3A_441 : i32
        %le3A_443 = arith.constant 67 : i32
        %le3A_444 = arith.cmpi sle, %add3A_32, %le3A_443 : i32
        %sub3A_445 = arith.constant 3 : i32
        %sub3A_446 = arith.subi %add3A_32, %sub3A_445 : i32
        %jit3A = arith.constant 68 : i32
        %select_n3A = arith.select %le3A_444, %sub3A_446, %jit3A : i32
        %jit3A_447 = arith.constant 67 : i32
        %select_n3A_448 = arith.select %eq3A_442, %jit3A_447, %select_n3A : i32
        %select_n3A_449 = arith.select %le3A_438, %sub3A_440, %select_n3A_448 : i32
        %jit3A_450 = arith.constant 66 : i32
        %select_n3A_451 = arith.select %eq3A_437, %jit3A_450, %select_n3A_449 : i32
        %jit3A_452 = arith.constant 65 : i32
        %select_n3A_453 = arith.select %eq3A_435, %jit3A_452, %select_n3A_451 : i32
        %select_n3A_454 = arith.select %lt3A_434, %add3A_32, %select_n3A_453 : i32
        %mul3A_455 = arith.constant 2 : i32
        %mul3A_456 = arith.muli %mul3A_455, %arg1 : i32
        %add3A_457 = arith.constant 1 : i32
        %add3A_458 = arith.addi %mul3A_456, %add3A_457 : i32
        %dma_start3A = arith.constant 1 : i32
        %dma_start3A_459 = tpu.memref_slice %arg5[%dma_start3A] : memref<2x!tpu.dma_semaphore, #tpu.memory_space<semaphore_mem>> -> memref<1x!tpu.dma_semaphore, #tpu.memory_space<semaphore_mem>>
        %dma_start3A_460 = tpu.memref_squeeze %dma_start3A_459 : memref<1x!tpu.dma_semaphore, #tpu.memory_space<semaphore_mem>> -> memref<!tpu.dma_semaphore, #tpu.memory_space<semaphore_mem>>
        %dma_start3A_461 = arith.constant 0 : i32
        %dma_start3A_462 = arith.constant 0 : i32
        %dma_start3A_463 = tpu.memref_slice %arg4[%add3A_458, %dma_start3A_461, %dma_start3A_462] : memref<6x720x361xf32, #tpu.memory_space<vmem_shared>> -> memref<1x720x361xf32, #tpu.memory_space<vmem_shared>>
        %dma_start3A_464 = tpu.memref_squeeze %dma_start3A_463 : memref<1x720x361xf32, #tpu.memory_space<vmem_shared>> -> memref<720x361xf32, #tpu.memory_space<vmem_shared>>
        %dma_start3A_465 = arith.constant 0 : i32
        %dma_start3A_466 = arith.constant 0 : i32
        %dma_start3A_467 = tpu.memref_slice %arg2[%select_n3A_454, %dma_start3A_465, %dma_start3A_466] : memref<69x720x361xf32, #tpu.memory_space<hbm>> -> memref<1x720x361xf32, #tpu.memory_space<hbm>>
        %dma_start3A_468 = tpu.memref_squeeze %dma_start3A_467 : memref<1x720x361xf32, #tpu.memory_space<hbm>> -> memref<720x361xf32, #tpu.memory_space<hbm>>
        tpu.enqueue_dma source(%dma_start3A_468 : memref<720x361xf32, #tpu.memory_space<hbm>>) target(%dma_start3A_464 : memref<720x361xf32, #tpu.memory_space<vmem_shared>>) target_semaphore(%dma_start3A_460 : memref<!tpu.dma_semaphore, #tpu.memory_space<semaphore_mem>>)
      } else {
      }
      %add3A_37 = arith.constant 3 : i32
      %add3A_38 = arith.addi %arg1, %add3A_37 : i32
      %mul3A_39 = arith.constant 2 : i32
      %mul3A_40 = arith.muli %mul3A_39, %add3A_38 : i32
      %add3A_41 = arith.addi %arg0, %mul3A_40 : i32
      %lt3A_42 = arith.cmpi slt, %add3A_38, %sub3A_0 : i32
      %convert_element_type3A_43 = arith.extui %lt3A_42 : i1 to i32
      %cond3A_44 = arith.constant 0 : i32
      %cond3A_45 = arith.cmpi ne, %convert_element_type3A_43, %cond3A_44 : i32
      scf.if %cond3A_45 {
        %mul3A_433 = arith.constant 2 : i32
        %mul3A_434 = arith.muli %mul3A_433, %arg1 : i32
        %add3A_435 = arith.constant 1 : i32
        %add3A_436 = arith.addi %mul3A_434, %add3A_435 : i32
        %dma_wait3A = arith.constant 0 : i32
        %dma_wait3A_437 = arith.constant 1 : i32
        %dma_wait3A_438 = tpu.memref_slice %arg5[%dma_wait3A_437] : memref<2x!tpu.dma_semaphore, #tpu.memory_space<semaphore_mem>> -> memref<1x!tpu.dma_semaphore, #tpu.memory_space<semaphore_mem>>
        %dma_wait3A_439 = tpu.memref_squeeze %dma_wait3A_438 : memref<1x!tpu.dma_semaphore, #tpu.memory_space<semaphore_mem>> -> memref<!tpu.dma_semaphore, #tpu.memory_space<semaphore_mem>>
        %dma_wait3A_440 = arith.constant 0 : i32
        %dma_wait3A_441 = arith.constant 0 : i32
        %dma_wait3A_442 = tpu.memref_slice %arg4[%add3A_436, %dma_wait3A_440, %dma_wait3A_441] : memref<6x720x361xf32, #tpu.memory_space<vmem_shared>> -> memref<1x720x361xf32, #tpu.memory_space<vmem_shared>>
        %dma_wait3A_443 = tpu.memref_squeeze %dma_wait3A_442 : memref<1x720x361xf32, #tpu.memory_space<vmem_shared>> -> memref<720x361xf32, #tpu.memory_space<vmem_shared>>
        %dma_wait3A_444 = arith.constant 0 : i32
        %dma_wait3A_445 = arith.constant 0 : i32
        %dma_wait3A_446 = tpu.memref_slice %arg2[%dma_wait3A, %dma_wait3A_444, %dma_wait3A_445] : memref<69x720x361xf32, #tpu.memory_space<hbm>> -> memref<1x720x361xf32, #tpu.memory_space<hbm>>
        %dma_wait3A_447 = tpu.memref_squeeze %dma_wait3A_446 : memref<1x720x361xf32, #tpu.memory_space<hbm>> -> memref<720x361xf32, #tpu.memory_space<hbm>>
        tpu.wait_dma2 semaphore(%dma_wait3A_439 : memref<!tpu.dma_semaphore, #tpu.memory_space<semaphore_mem>>) src(%dma_wait3A_447 : memref<720x361xf32, #tpu.memory_space<hbm>>) dst(%dma_wait3A_443 : memref<720x361xf32, #tpu.memory_space<vmem_shared>>)
      } else {
      }
      %add3A_46 = arith.constant 3 : i32
      %add3A_47 = arith.addi %arg1, %add3A_46 : i32
      %mul3A_48 = arith.constant 2 : i32
      %mul3A_49 = arith.muli %mul3A_48, %add3A_47 : i32
      %add3A_50 = arith.addi %arg0, %mul3A_49 : i32
      %lt3A_51 = arith.cmpi slt, %add3A_47, %sub3A_0 : i32
      %convert_element_type3A_52 = arith.extui %lt3A_51 : i1 to i32
      %cond3A_53 = arith.constant 0 : i32
      %cond3A_54 = arith.cmpi ne, %convert_element_type3A_52, %cond3A_53 : i32
      scf.if %cond3A_54 {
        %mul3A_433 = arith.constant 2 : i32
        %mul3A_434 = arith.muli %mul3A_433, %arg1 : i32
        %add3A_435 = arith.constant 1 : i32
        %add3A_436 = arith.addi %mul3A_434, %add3A_435 : i32
        %dma_start3A = arith.constant 1 : i32
        %dma_start3A_437 = tpu.memref_slice %arg6[%dma_start3A] : memref<2x!tpu.dma_semaphore, #tpu.memory_space<semaphore_mem>> -> memref<1x!tpu.dma_semaphore, #tpu.memory_space<semaphore_mem>>
        %dma_start3A_438 = tpu.memref_squeeze %dma_start3A_437 : memref<1x!tpu.dma_semaphore, #tpu.memory_space<semaphore_mem>> -> memref<!tpu.dma_semaphore, #tpu.memory_space<semaphore_mem>>
        %dma_start3A_439 = arith.constant 0 : i32
        %dma_start3A_440 = arith.constant 0 : i32
        %dma_start3A_441 = tpu.memref_slice %arg3[%add3A_50, %dma_start3A_439, %dma_start3A_440] : memref<69x720x361xf32, #tpu.memory_space<hbm>> -> memref<1x720x361xf32, #tpu.memory_space<hbm>>
        %dma_start3A_442 = tpu.memref_squeeze %dma_start3A_441 : memref<1x720x361xf32, #tpu.memory_space<hbm>> -> memref<720x361xf32, #tpu.memory_space<hbm>>
        %dma_start3A_443 = arith.constant 0 : i32
        %dma_start3A_444 = arith.constant 0 : i32
        %dma_start3A_445 = tpu.memref_slice %arg4[%add3A_436, %dma_start3A_443, %dma_start3A_444] : memref<6x720x361xf32, #tpu.memory_space<vmem_shared>> -> memref<1x720x361xf32, #tpu.memory_space<vmem_shared>>
        %dma_start3A_446 = tpu.memref_squeeze %dma_start3A_445 : memref<1x720x361xf32, #tpu.memory_space<vmem_shared>> -> memref<720x361xf32, #tpu.memory_space<vmem_shared>>
        tpu.enqueue_dma source(%dma_start3A_446 : memref<720x361xf32, #tpu.memory_space<vmem_shared>>) target(%dma_start3A_442 : memref<720x361xf32, #tpu.memory_space<hbm>>) target_semaphore(%dma_start3A_438 : memref<!tpu.dma_semaphore, #tpu.memory_space<semaphore_mem>>)
      } else {
      }
      %add3A_55 = arith.constant 0 : i32
      %add3A_56 = arith.addi %arg1, %add3A_55 : i32
      %mul3A_57 = arith.constant 2 : i32
      %mul3A_58 = arith.muli %mul3A_57, %add3A_56 : i32
      %add3A_59 = arith.addi %arg0, %mul3A_58 : i32
      %lt3A_60 = arith.cmpi slt, %add3A_56, %sub3A_0 : i32
      %convert_element_type3A_61 = arith.extui %lt3A_60 : i1 to i32
      %cond3A_62 = arith.constant 0 : i32
      %cond3A_63 = arith.cmpi ne, %convert_element_type3A_61, %cond3A_62 : i32
      scf.if %cond3A_63 {
        %mul3A_433 = arith.constant 2 : i32
        %mul3A_434 = arith.muli %mul3A_433, %arg1 : i32
        %add3A_435 = arith.constant 0 : i32
        %add3A_436 = arith.addi %mul3A_434, %add3A_435 : i32
        %dma_wait3A = arith.constant 0 : i32
        %dma_wait3A_437 = arith.constant 0 : i32
        %dma_wait3A_438 = tpu.memref_slice %arg6[%dma_wait3A_437] : memref<2x!tpu.dma_semaphore, #tpu.memory_space<semaphore_mem>> -> memref<1x!tpu.dma_semaphore, #tpu.memory_space<semaphore_mem>>
        %dma_wait3A_439 = tpu.memref_squeeze %dma_wait3A_438 : memref<1x!tpu.dma_semaphore, #tpu.memory_space<semaphore_mem>> -> memref<!tpu.dma_semaphore, #tpu.memory_space<semaphore_mem>>
        %dma_wait3A_440 = arith.constant 0 : i32
        %dma_wait3A_441 = arith.constant 0 : i32
        %dma_wait3A_442 = tpu.memref_slice %arg3[%dma_wait3A, %dma_wait3A_440, %dma_wait3A_441] : memref<69x720x361xf32, #tpu.memory_space<hbm>> -> memref<1x720x361xf32, #tpu.memory_space<hbm>>
        %dma_wait3A_443 = tpu.memref_squeeze %dma_wait3A_442 : memref<1x720x361xf32, #tpu.memory_space<hbm>> -> memref<720x361xf32, #tpu.memory_space<hbm>>
        %dma_wait3A_444 = arith.constant 0 : i32
        %dma_wait3A_445 = arith.constant 0 : i32
        %dma_wait3A_446 = tpu.memref_slice %arg4[%add3A_436, %dma_wait3A_444, %dma_wait3A_445] : memref<6x720x361xf32, #tpu.memory_space<vmem_shared>> -> memref<1x720x361xf32, #tpu.memory_space<vmem_shared>>
        %dma_wait3A_447 = tpu.memref_squeeze %dma_wait3A_446 : memref<1x720x361xf32, #tpu.memory_space<vmem_shared>> -> memref<720x361xf32, #tpu.memory_space<vmem_shared>>
        tpu.wait_dma2 semaphore(%dma_wait3A_439 : memref<!tpu.dma_semaphore, #tpu.memory_space<semaphore_mem>>) src(%dma_wait3A_447 : memref<720x361xf32, #tpu.memory_space<vmem_shared>>) dst(%dma_wait3A_443 : memref<720x361xf32, #tpu.memory_space<hbm>>)
      } else {
      }
      %add3A_64 = arith.constant 6 : i32
      %add3A_65 = arith.addi %arg1, %add3A_64 : i32
      %mul3A_66 = arith.constant 2 : i32
      %mul3A_67 = arith.muli %mul3A_66, %add3A_65 : i32
      %add3A_68 = arith.addi %arg0, %mul3A_67 : i32
      %lt3A_69 = arith.cmpi slt, %add3A_65, %sub3A_0 : i32
      %convert_element_type3A_70 = arith.extui %lt3A_69 : i1 to i32
      %cond3A_71 = arith.constant 0 : i32
      %cond3A_72 = arith.cmpi ne, %convert_element_type3A_70, %cond3A_71 : i32
      scf.if %cond3A_72 {
        %lt3A_433 = arith.constant 39 : i32
        %lt3A_434 = arith.cmpi slt, %add3A_68, %lt3A_433 : i32
        %eq3A = arith.constant 39 : i32
        %eq3A_435 = arith.cmpi eq, %add3A_68, %eq3A : i32
        %eq3A_436 = arith.constant 40 : i32
        %eq3A_437 = arith.cmpi eq, %add3A_68, %eq3A_436 : i32
        %le3A = arith.constant 53 : i32
        %le3A_438 = arith.cmpi sle, %add3A_68, %le3A : i32
        %sub3A_439 = arith.constant 2 : i32
        %sub3A_440 = arith.subi %add3A_68, %sub3A_439 : i32
        %eq3A_441 = arith.constant 54 : i32
        %eq3A_442 = arith.cmpi eq, %add3A_68, %eq3A_441 : i32
        %le3A_443 = arith.constant 67 : i32
        %le3A_444 = arith.cmpi sle, %add3A_68, %le3A_443 : i32
        %sub3A_445 = arith.constant 3 : i32
        %sub3A_446 = arith.subi %add3A_68, %sub3A_445 : i32
        %jit3A = arith.constant 68 : i32
        %select_n3A = arith.select %le3A_444, %sub3A_446, %jit3A : i32
        %jit3A_447 = arith.constant 67 : i32
        %select_n3A_448 = arith.select %eq3A_442, %jit3A_447, %select_n3A : i32
        %select_n3A_449 = arith.select %le3A_438, %sub3A_440, %select_n3A_448 : i32
        %jit3A_450 = arith.constant 66 : i32
        %select_n3A_451 = arith.select %eq3A_437, %jit3A_450, %select_n3A_449 : i32
        %jit3A_452 = arith.constant 65 : i32
        %select_n3A_453 = arith.select %eq3A_435, %jit3A_452, %select_n3A_451 : i32
        %select_n3A_454 = arith.select %lt3A_434, %add3A_68, %select_n3A_453 : i32
        %mul3A_455 = arith.constant 2 : i32
        %mul3A_456 = arith.muli %mul3A_455, %arg1 : i32
        %add3A_457 = arith.constant 0 : i32
        %add3A_458 = arith.addi %mul3A_456, %add3A_457 : i32
        %dma_start3A = arith.constant 0 : i32
        %dma_start3A_459 = tpu.memref_slice %arg5[%dma_start3A] : memref<2x!tpu.dma_semaphore, #tpu.memory_space<semaphore_mem>> -> memref<1x!tpu.dma_semaphore, #tpu.memory_space<semaphore_mem>>
        %dma_start3A_460 = tpu.memref_squeeze %dma_start3A_459 : memref<1x!tpu.dma_semaphore, #tpu.memory_space<semaphore_mem>> -> memref<!tpu.dma_semaphore, #tpu.memory_space<semaphore_mem>>
        %dma_start3A_461 = arith.constant 0 : i32
        %dma_start3A_462 = arith.constant 0 : i32
        %dma_start3A_463 = tpu.memref_slice %arg4[%add3A_458, %dma_start3A_461, %dma_start3A_462] : memref<6x720x361xf32, #tpu.memory_space<vmem_shared>> -> memref<1x720x361xf32, #tpu.memory_space<vmem_shared>>
        %dma_start3A_464 = tpu.memref_squeeze %dma_start3A_463 : memref<1x720x361xf32, #tpu.memory_space<vmem_shared>> -> memref<720x361xf32, #tpu.memory_space<vmem_shared>>
        %dma_start3A_465 = arith.constant 0 : i32
        %dma_start3A_466 = arith.constant 0 : i32
        %dma_start3A_467 = tpu.memref_slice %arg2[%select_n3A_454, %dma_start3A_465, %dma_start3A_466] : memref<69x720x361xf32, #tpu.memory_space<hbm>> -> memref<1x720x361xf32, #tpu.memory_space<hbm>>
        %dma_start3A_468 = tpu.memref_squeeze %dma_start3A_467 : memref<1x720x361xf32, #tpu.memory_space<hbm>> -> memref<720x361xf32, #tpu.memory_space<hbm>>
        tpu.enqueue_dma source(%dma_start3A_468 : memref<720x361xf32, #tpu.memory_space<hbm>>) target(%dma_start3A_464 : memref<720x361xf32, #tpu.memory_space<vmem_shared>>) target_semaphore(%dma_start3A_460 : memref<!tpu.dma_semaphore, #tpu.memory_space<semaphore_mem>>)
      } else {
      }
      %add3A_73 = arith.constant 6 : i32
      %add3A_74 = arith.addi %arg1, %add3A_73 : i32
      %mul3A_75 = arith.constant 2 : i32
      %mul3A_76 = arith.muli %mul3A_75, %add3A_74 : i32
      %add3A_77 = arith.addi %arg0, %mul3A_76 : i32
      %lt3A_78 = arith.cmpi slt, %add3A_74, %sub3A_0 : i32
      %convert_element_type3A_79 = arith.extui %lt3A_78 : i1 to i32
      %cond3A_80 = arith.constant 0 : i32
      %cond3A_81 = arith.cmpi ne, %convert_element_type3A_79, %cond3A_80 : i32
      scf.if %cond3A_81 {
        %mul3A_433 = arith.constant 2 : i32
        %mul3A_434 = arith.muli %mul3A_433, %arg1 : i32
        %add3A_435 = arith.constant 0 : i32
        %add3A_436 = arith.addi %mul3A_434, %add3A_435 : i32
        %dma_wait3A = arith.constant 0 : i32
        %dma_wait3A_437 = arith.constant 0 : i32
        %dma_wait3A_438 = tpu.memref_slice %arg5[%dma_wait3A_437] : memref<2x!tpu.dma_semaphore, #tpu.memory_space<semaphore_mem>> -> memref<1x!tpu.dma_semaphore, #tpu.memory_space<semaphore_mem>>
        %dma_wait3A_439 = tpu.memref_squeeze %dma_wait3A_438 : memref<1x!tpu.dma_semaphore, #tpu.memory_space<semaphore_mem>> -> memref<!tpu.dma_semaphore, #tpu.memory_space<semaphore_mem>>
        %dma_wait3A_440 = arith.constant 0 : i32
        %dma_wait3A_441 = arith.constant 0 : i32
        %dma_wait3A_442 = tpu.memref_slice %arg4[%add3A_436, %dma_wait3A_440, %dma_wait3A_441] : memref<6x720x361xf32, #tpu.memory_space<vmem_shared>> -> memref<1x720x361xf32, #tpu.memory_space<vmem_shared>>
        %dma_wait3A_443 = tpu.memref_squeeze %dma_wait3A_442 : memref<1x720x361xf32, #tpu.memory_space<vmem_shared>> -> memref<720x361xf32, #tpu.memory_space<vmem_shared>>
        %dma_wait3A_444 = arith.constant 0 : i32
        %dma_wait3A_445 = arith.constant 0 : i32
        %dma_wait3A_446 = tpu.memref_slice %arg2[%dma_wait3A, %dma_wait3A_444, %dma_wait3A_445] : memref<69x720x361xf32, #tpu.memory_space<hbm>> -> memref<1x720x361xf32, #tpu.memory_space<hbm>>
        %dma_wait3A_447 = tpu.memref_squeeze %dma_wait3A_446 : memref<1x720x361xf32, #tpu.memory_space<hbm>> -> memref<720x361xf32, #tpu.memory_space<hbm>>
        tpu.wait_dma2 semaphore(%dma_wait3A_439 : memref<!tpu.dma_semaphore, #tpu.memory_space<semaphore_mem>>) src(%dma_wait3A_447 : memref<720x361xf32, #tpu.memory_space<hbm>>) dst(%dma_wait3A_443 : memref<720x361xf32, #tpu.memory_space<vmem_shared>>)
      } else {
      }
      %add3A_82 = arith.constant 6 : i32
      %add3A_83 = arith.addi %arg1, %add3A_82 : i32
      %mul3A_84 = arith.constant 2 : i32
      %mul3A_85 = arith.muli %mul3A_84, %add3A_83 : i32
      %add3A_86 = arith.addi %arg0, %mul3A_85 : i32
      %lt3A_87 = arith.cmpi slt, %add3A_83, %sub3A_0 : i32
      %convert_element_type3A_88 = arith.extui %lt3A_87 : i1 to i32
      %cond3A_89 = arith.constant 0 : i32
      %cond3A_90 = arith.cmpi ne, %convert_element_type3A_88, %cond3A_89 : i32
      scf.if %cond3A_90 {
        %mul3A_433 = arith.constant 2 : i32
        %mul3A_434 = arith.muli %mul3A_433, %arg1 : i32
        %add3A_435 = arith.constant 0 : i32
        %add3A_436 = arith.addi %mul3A_434, %add3A_435 : i32
        %dma_start3A = arith.constant 0 : i32
        %dma_start3A_437 = tpu.memref_slice %arg6[%dma_start3A] : memref<2x!tpu.dma_semaphore, #tpu.memory_space<semaphore_mem>> -> memref<1x!tpu.dma_semaphore, #tpu.memory_space<semaphore_mem>>
        %dma_start3A_438 = tpu.memref_squeeze %dma_start3A_437 : memref<1x!tpu.dma_semaphore, #tpu.memory_space<semaphore_mem>> -> memref<!tpu.dma_semaphore, #tpu.memory_space<semaphore_mem>>
        %dma_start3A_439 = arith.constant 0 : i32
        %dma_start3A_440 = arith.constant 0 : i32
        %dma_start3A_441 = tpu.memref_slice %arg3[%add3A_86, %dma_start3A_439, %dma_start3A_440] : memref<69x720x361xf32, #tpu.memory_space<hbm>> -> memref<1x720x361xf32, #tpu.memory_space<hbm>>
        %dma_start3A_442 = tpu.memref_squeeze %dma_start3A_441 : memref<1x720x361xf32, #tpu.memory_space<hbm>> -> memref<720x361xf32, #tpu.memory_space<hbm>>
        %dma_start3A_443 = arith.constant 0 : i32
        %dma_start3A_444 = arith.constant 0 : i32
        %dma_start3A_445 = tpu.memref_slice %arg4[%add3A_436, %dma_start3A_443, %dma_start3A_444] : memref<6x720x361xf32, #tpu.memory_space<vmem_shared>> -> memref<1x720x361xf32, #tpu.memory_space<vmem_shared>>
        %dma_start3A_446 = tpu.memref_squeeze %dma_start3A_445 : memref<1x720x361xf32, #tpu.memory_space<vmem_shared>> -> memref<720x361xf32, #tpu.memory_space<vmem_shared>>
        tpu.enqueue_dma source(%dma_start3A_446 : memref<720x361xf32, #tpu.memory_space<vmem_shared>>) target(%dma_start3A_442 : memref<720x361xf32, #tpu.memory_space<hbm>>) target_semaphore(%dma_start3A_438 : memref<!tpu.dma_semaphore, #tpu.memory_space<semaphore_mem>>)
      } else {
      }
      %add3A_91 = arith.constant 3 : i32
      %add3A_92 = arith.addi %arg1, %add3A_91 : i32
      %mul3A_93 = arith.constant 2 : i32
      %mul3A_94 = arith.muli %mul3A_93, %add3A_92 : i32
      %add3A_95 = arith.addi %arg0, %mul3A_94 : i32
      %lt3A_96 = arith.cmpi slt, %add3A_92, %sub3A_0 : i32
      %convert_element_type3A_97 = arith.extui %lt3A_96 : i1 to i32
      %cond3A_98 = arith.constant 0 : i32
      %cond3A_99 = arith.cmpi ne, %convert_element_type3A_97, %cond3A_98 : i32
      scf.if %cond3A_99 {
        %mul3A_433 = arith.constant 2 : i32
        %mul3A_434 = arith.muli %mul3A_433, %arg1 : i32
        %add3A_435 = arith.constant 1 : i32
        %add3A_436 = arith.addi %mul3A_434, %add3A_435 : i32
        %dma_wait3A = arith.constant 0 : i32
        %dma_wait3A_437 = arith.constant 1 : i32
        %dma_wait3A_438 = tpu.memref_slice %arg6[%dma_wait3A_437] : memref<2x!tpu.dma_semaphore, #tpu.memory_space<semaphore_mem>> -> memref<1x!tpu.dma_semaphore, #tpu.memory_space<semaphore_mem>>
        %dma_wait3A_439 = tpu.memref_squeeze %dma_wait3A_438 : memref<1x!tpu.dma_semaphore, #tpu.memory_space<semaphore_mem>> -> memref<!tpu.dma_semaphore, #tpu.memory_space<semaphore_mem>>
        %dma_wait3A_440 = arith.constant 0 : i32
        %dma_wait3A_441 = arith.constant 0 : i32
        %dma_wait3A_442 = tpu.memref_slice %arg3[%dma_wait3A, %dma_wait3A_440, %dma_wait3A_441] : memref<69x720x361xf32, #tpu.memory_space<hbm>> -> memref<1x720x361xf32, #tpu.memory_space<hbm>>
        %dma_wait3A_443 = tpu.memref_squeeze %dma_wait3A_442 : memref<1x720x361xf32, #tpu.memory_space<hbm>> -> memref<720x361xf32, #tpu.memory_space<hbm>>
        %dma_wait3A_444 = arith.constant 0 : i32
        %dma_wait3A_445 = arith.constant 0 : i32
        %dma_wait3A_446 = tpu.memref_slice %arg4[%add3A_436, %dma_wait3A_444, %dma_wait3A_445] : memref<6x720x361xf32, #tpu.memory_space<vmem_shared>> -> memref<1x720x361xf32, #tpu.memory_space<vmem_shared>>
        %dma_wait3A_447 = tpu.memref_squeeze %dma_wait3A_446 : memref<1x720x361xf32, #tpu.memory_space<vmem_shared>> -> memref<720x361xf32, #tpu.memory_space<vmem_shared>>
        tpu.wait_dma2 semaphore(%dma_wait3A_439 : memref<!tpu.dma_semaphore, #tpu.memory_space<semaphore_mem>>) src(%dma_wait3A_447 : memref<720x361xf32, #tpu.memory_space<vmem_shared>>) dst(%dma_wait3A_443 : memref<720x361xf32, #tpu.memory_space<hbm>>)
      } else {
      }
      %add3A_100 = arith.constant 9 : i32
      %add3A_101 = arith.addi %arg1, %add3A_100 : i32
      %mul3A_102 = arith.constant 2 : i32
      %mul3A_103 = arith.muli %mul3A_102, %add3A_101 : i32
      %add3A_104 = arith.addi %arg0, %mul3A_103 : i32
      %lt3A_105 = arith.cmpi slt, %add3A_101, %sub3A_0 : i32
      %convert_element_type3A_106 = arith.extui %lt3A_105 : i1 to i32
      %cond3A_107 = arith.constant 0 : i32
      %cond3A_108 = arith.cmpi ne, %convert_element_type3A_106, %cond3A_107 : i32
      scf.if %cond3A_108 {
        %lt3A_433 = arith.constant 39 : i32
        %lt3A_434 = arith.cmpi slt, %add3A_104, %lt3A_433 : i32
        %eq3A = arith.constant 39 : i32
        %eq3A_435 = arith.cmpi eq, %add3A_104, %eq3A : i32
        %eq3A_436 = arith.constant 40 : i32
        %eq3A_437 = arith.cmpi eq, %add3A_104, %eq3A_436 : i32
        %le3A = arith.constant 53 : i32
        %le3A_438 = arith.cmpi sle, %add3A_104, %le3A : i32
        %sub3A_439 = arith.constant 2 : i32
        %sub3A_440 = arith.subi %add3A_104, %sub3A_439 : i32
        %eq3A_441 = arith.constant 54 : i32
        %eq3A_442 = arith.cmpi eq, %add3A_104, %eq3A_441 : i32
        %le3A_443 = arith.constant 67 : i32
        %le3A_444 = arith.cmpi sle, %add3A_104, %le3A_443 : i32
        %sub3A_445 = arith.constant 3 : i32
        %sub3A_446 = arith.subi %add3A_104, %sub3A_445 : i32
        %jit3A = arith.constant 68 : i32
        %select_n3A = arith.select %le3A_444, %sub3A_446, %jit3A : i32
        %jit3A_447 = arith.constant 67 : i32
        %select_n3A_448 = arith.select %eq3A_442, %jit3A_447, %select_n3A : i32
        %select_n3A_449 = arith.select %le3A_438, %sub3A_440, %select_n3A_448 : i32
        %jit3A_450 = arith.constant 66 : i32
        %select_n3A_451 = arith.select %eq3A_437, %jit3A_450, %select_n3A_449 : i32
        %jit3A_452 = arith.constant 65 : i32
        %select_n3A_453 = arith.select %eq3A_435, %jit3A_452, %select_n3A_451 : i32
        %select_n3A_454 = arith.select %lt3A_434, %add3A_104, %select_n3A_453 : i32
        %mul3A_455 = arith.constant 2 : i32
        %mul3A_456 = arith.muli %mul3A_455, %arg1 : i32
        %add3A_457 = arith.constant 1 : i32
        %add3A_458 = arith.addi %mul3A_456, %add3A_457 : i32
        %dma_start3A = arith.constant 1 : i32
        %dma_start3A_459 = tpu.memref_slice %arg5[%dma_start3A] : memref<2x!tpu.dma_semaphore, #tpu.memory_space<semaphore_mem>> -> memref<1x!tpu.dma_semaphore, #tpu.memory_space<semaphore_mem>>
        %dma_start3A_460 = tpu.memref_squeeze %dma_start3A_459 : memref<1x!tpu.dma_semaphore, #tpu.memory_space<semaphore_mem>> -> memref<!tpu.dma_semaphore, #tpu.memory_space<semaphore_mem>>
        %dma_start3A_461 = arith.constant 0 : i32
        %dma_start3A_462 = arith.constant 0 : i32
        %dma_start3A_463 = tpu.memref_slice %arg4[%add3A_458, %dma_start3A_461, %dma_start3A_462] : memref<6x720x361xf32, #tpu.memory_space<vmem_shared>> -> memref<1x720x361xf32, #tpu.memory_space<vmem_shared>>
        %dma_start3A_464 = tpu.memref_squeeze %dma_start3A_463 : memref<1x720x361xf32, #tpu.memory_space<vmem_shared>> -> memref<720x361xf32, #tpu.memory_space<vmem_shared>>
        %dma_start3A_465 = arith.constant 0 : i32
        %dma_start3A_466 = arith.constant 0 : i32
        %dma_start3A_467 = tpu.memref_slice %arg2[%select_n3A_454, %dma_start3A_465, %dma_start3A_466] : memref<69x720x361xf32, #tpu.memory_space<hbm>> -> memref<1x720x361xf32, #tpu.memory_space<hbm>>
        %dma_start3A_468 = tpu.memref_squeeze %dma_start3A_467 : memref<1x720x361xf32, #tpu.memory_space<hbm>> -> memref<720x361xf32, #tpu.memory_space<hbm>>
        tpu.enqueue_dma source(%dma_start3A_468 : memref<720x361xf32, #tpu.memory_space<hbm>>) target(%dma_start3A_464 : memref<720x361xf32, #tpu.memory_space<vmem_shared>>) target_semaphore(%dma_start3A_460 : memref<!tpu.dma_semaphore, #tpu.memory_space<semaphore_mem>>)
      } else {
      }
      %add3A_109 = arith.constant 9 : i32
      %add3A_110 = arith.addi %arg1, %add3A_109 : i32
      %mul3A_111 = arith.constant 2 : i32
      %mul3A_112 = arith.muli %mul3A_111, %add3A_110 : i32
      %add3A_113 = arith.addi %arg0, %mul3A_112 : i32
      %lt3A_114 = arith.cmpi slt, %add3A_110, %sub3A_0 : i32
      %convert_element_type3A_115 = arith.extui %lt3A_114 : i1 to i32
      %cond3A_116 = arith.constant 0 : i32
      %cond3A_117 = arith.cmpi ne, %convert_element_type3A_115, %cond3A_116 : i32
      scf.if %cond3A_117 {
        %mul3A_433 = arith.constant 2 : i32
        %mul3A_434 = arith.muli %mul3A_433, %arg1 : i32
        %add3A_435 = arith.constant 1 : i32
        %add3A_436 = arith.addi %mul3A_434, %add3A_435 : i32
        %dma_wait3A = arith.constant 0 : i32
        %dma_wait3A_437 = arith.constant 1 : i32
        %dma_wait3A_438 = tpu.memref_slice %arg5[%dma_wait3A_437] : memref<2x!tpu.dma_semaphore, #tpu.memory_space<semaphore_mem>> -> memref<1x!tpu.dma_semaphore, #tpu.memory_space<semaphore_mem>>
        %dma_wait3A_439 = tpu.memref_squeeze %dma_wait3A_438 : memref<1x!tpu.dma_semaphore, #tpu.memory_space<semaphore_mem>> -> memref<!tpu.dma_semaphore, #tpu.memory_space<semaphore_mem>>
        %dma_wait3A_440 = arith.constant 0 : i32
        %dma_wait3A_441 = arith.constant 0 : i32
        %dma_wait3A_442 = tpu.memref_slice %arg4[%add3A_436, %dma_wait3A_440, %dma_wait3A_441] : memref<6x720x361xf32, #tpu.memory_space<vmem_shared>> -> memref<1x720x361xf32, #tpu.memory_space<vmem_shared>>
        %dma_wait3A_443 = tpu.memref_squeeze %dma_wait3A_442 : memref<1x720x361xf32, #tpu.memory_space<vmem_shared>> -> memref<720x361xf32, #tpu.memory_space<vmem_shared>>
        %dma_wait3A_444 = arith.constant 0 : i32
        %dma_wait3A_445 = arith.constant 0 : i32
        %dma_wait3A_446 = tpu.memref_slice %arg2[%dma_wait3A, %dma_wait3A_444, %dma_wait3A_445] : memref<69x720x361xf32, #tpu.memory_space<hbm>> -> memref<1x720x361xf32, #tpu.memory_space<hbm>>
        %dma_wait3A_447 = tpu.memref_squeeze %dma_wait3A_446 : memref<1x720x361xf32, #tpu.memory_space<hbm>> -> memref<720x361xf32, #tpu.memory_space<hbm>>
        tpu.wait_dma2 semaphore(%dma_wait3A_439 : memref<!tpu.dma_semaphore, #tpu.memory_space<semaphore_mem>>) src(%dma_wait3A_447 : memref<720x361xf32, #tpu.memory_space<hbm>>) dst(%dma_wait3A_443 : memref<720x361xf32, #tpu.memory_space<vmem_shared>>)
      } else {
      }
      %add3A_118 = arith.constant 9 : i32
      %add3A_119 = arith.addi %arg1, %add3A_118 : i32
      %mul3A_120 = arith.constant 2 : i32
      %mul3A_121 = arith.muli %mul3A_120, %add3A_119 : i32
      %add3A_122 = arith.addi %arg0, %mul3A_121 : i32
      %lt3A_123 = arith.cmpi slt, %add3A_119, %sub3A_0 : i32
      %convert_element_type3A_124 = arith.extui %lt3A_123 : i1 to i32
      %cond3A_125 = arith.constant 0 : i32
      %cond3A_126 = arith.cmpi ne, %convert_element_type3A_124, %cond3A_125 : i32
      scf.if %cond3A_126 {
        %mul3A_433 = arith.constant 2 : i32
        %mul3A_434 = arith.muli %mul3A_433, %arg1 : i32
        %add3A_435 = arith.constant 1 : i32
        %add3A_436 = arith.addi %mul3A_434, %add3A_435 : i32
        %dma_start3A = arith.constant 1 : i32
        %dma_start3A_437 = tpu.memref_slice %arg6[%dma_start3A] : memref<2x!tpu.dma_semaphore, #tpu.memory_space<semaphore_mem>> -> memref<1x!tpu.dma_semaphore, #tpu.memory_space<semaphore_mem>>
        %dma_start3A_438 = tpu.memref_squeeze %dma_start3A_437 : memref<1x!tpu.dma_semaphore, #tpu.memory_space<semaphore_mem>> -> memref<!tpu.dma_semaphore, #tpu.memory_space<semaphore_mem>>
        %dma_start3A_439 = arith.constant 0 : i32
        %dma_start3A_440 = arith.constant 0 : i32
        %dma_start3A_441 = tpu.memref_slice %arg3[%add3A_122, %dma_start3A_439, %dma_start3A_440] : memref<69x720x361xf32, #tpu.memory_space<hbm>> -> memref<1x720x361xf32, #tpu.memory_space<hbm>>
        %dma_start3A_442 = tpu.memref_squeeze %dma_start3A_441 : memref<1x720x361xf32, #tpu.memory_space<hbm>> -> memref<720x361xf32, #tpu.memory_space<hbm>>
        %dma_start3A_443 = arith.constant 0 : i32
        %dma_start3A_444 = arith.constant 0 : i32
        %dma_start3A_445 = tpu.memref_slice %arg4[%add3A_436, %dma_start3A_443, %dma_start3A_444] : memref<6x720x361xf32, #tpu.memory_space<vmem_shared>> -> memref<1x720x361xf32, #tpu.memory_space<vmem_shared>>
        %dma_start3A_446 = tpu.memref_squeeze %dma_start3A_445 : memref<1x720x361xf32, #tpu.memory_space<vmem_shared>> -> memref<720x361xf32, #tpu.memory_space<vmem_shared>>
        tpu.enqueue_dma source(%dma_start3A_446 : memref<720x361xf32, #tpu.memory_space<vmem_shared>>) target(%dma_start3A_442 : memref<720x361xf32, #tpu.memory_space<hbm>>) target_semaphore(%dma_start3A_438 : memref<!tpu.dma_semaphore, #tpu.memory_space<semaphore_mem>>)
      } else {
      }
      %add3A_127 = arith.constant 6 : i32
      %add3A_128 = arith.addi %arg1, %add3A_127 : i32
      %mul3A_129 = arith.constant 2 : i32
      %mul3A_130 = arith.muli %mul3A_129, %add3A_128 : i32
      %add3A_131 = arith.addi %arg0, %mul3A_130 : i32
      %lt3A_132 = arith.cmpi slt, %add3A_128, %sub3A_0 : i32
      %convert_element_type3A_133 = arith.extui %lt3A_132 : i1 to i32
      %cond3A_134 = arith.constant 0 : i32
      %cond3A_135 = arith.cmpi ne, %convert_element_type3A_133, %cond3A_134 : i32
      scf.if %cond3A_135 {
        %mul3A_433 = arith.constant 2 : i32
        %mul3A_434 = arith.muli %mul3A_433, %arg1 : i32
        %add3A_435 = arith.constant 0 : i32
        %add3A_436 = arith.addi %mul3A_434, %add3A_435 : i32
        %dma_wait3A = arith.constant 0 : i32
        %dma_wait3A_437 = arith.constant 0 : i32
        %dma_wait3A_438 = tpu.memref_slice %arg6[%dma_wait3A_437] : memref<2x!tpu.dma_semaphore, #tpu.memory_space<semaphore_mem>> -> memref<1x!tpu.dma_semaphore, #tpu.memory_space<semaphore_mem>>
        %dma_wait3A_439 = tpu.memref_squeeze %dma_wait3A_438 : memref<1x!tpu.dma_semaphore, #tpu.memory_space<semaphore_mem>> -> memref<!tpu.dma_semaphore, #tpu.memory_space<semaphore_mem>>
        %dma_wait3A_440 = arith.constant 0 : i32
        %dma_wait3A_441 = arith.constant 0 : i32
        %dma_wait3A_442 = tpu.memref_slice %arg3[%dma_wait3A, %dma_wait3A_440, %dma_wait3A_441] : memref<69x720x361xf32, #tpu.memory_space<hbm>> -> memref<1x720x361xf32, #tpu.memory_space<hbm>>
        %dma_wait3A_443 = tpu.memref_squeeze %dma_wait3A_442 : memref<1x720x361xf32, #tpu.memory_space<hbm>> -> memref<720x361xf32, #tpu.memory_space<hbm>>
        %dma_wait3A_444 = arith.constant 0 : i32
        %dma_wait3A_445 = arith.constant 0 : i32
        %dma_wait3A_446 = tpu.memref_slice %arg4[%add3A_436, %dma_wait3A_444, %dma_wait3A_445] : memref<6x720x361xf32, #tpu.memory_space<vmem_shared>> -> memref<1x720x361xf32, #tpu.memory_space<vmem_shared>>
        %dma_wait3A_447 = tpu.memref_squeeze %dma_wait3A_446 : memref<1x720x361xf32, #tpu.memory_space<vmem_shared>> -> memref<720x361xf32, #tpu.memory_space<vmem_shared>>
        tpu.wait_dma2 semaphore(%dma_wait3A_439 : memref<!tpu.dma_semaphore, #tpu.memory_space<semaphore_mem>>) src(%dma_wait3A_447 : memref<720x361xf32, #tpu.memory_space<vmem_shared>>) dst(%dma_wait3A_443 : memref<720x361xf32, #tpu.memory_space<hbm>>)
      } else {
      }
      %add3A_136 = arith.constant 12 : i32
      %add3A_137 = arith.addi %arg1, %add3A_136 : i32
      %mul3A_138 = arith.constant 2 : i32
      %mul3A_139 = arith.muli %mul3A_138, %add3A_137 : i32
      %add3A_140 = arith.addi %arg0, %mul3A_139 : i32
      %lt3A_141 = arith.cmpi slt, %add3A_137, %sub3A_0 : i32
      %convert_element_type3A_142 = arith.extui %lt3A_141 : i1 to i32
      %cond3A_143 = arith.constant 0 : i32
      %cond3A_144 = arith.cmpi ne, %convert_element_type3A_142, %cond3A_143 : i32
      scf.if %cond3A_144 {
        %lt3A_433 = arith.constant 39 : i32
        %lt3A_434 = arith.cmpi slt, %add3A_140, %lt3A_433 : i32
        %eq3A = arith.constant 39 : i32
        %eq3A_435 = arith.cmpi eq, %add3A_140, %eq3A : i32
        %eq3A_436 = arith.constant 40 : i32
        %eq3A_437 = arith.cmpi eq, %add3A_140, %eq3A_436 : i32
        %le3A = arith.constant 53 : i32
        %le3A_438 = arith.cmpi sle, %add3A_140, %le3A : i32
        %sub3A_439 = arith.constant 2 : i32
        %sub3A_440 = arith.subi %add3A_140, %sub3A_439 : i32
        %eq3A_441 = arith.constant 54 : i32
        %eq3A_442 = arith.cmpi eq, %add3A_140, %eq3A_441 : i32
        %le3A_443 = arith.constant 67 : i32
        %le3A_444 = arith.cmpi sle, %add3A_140, %le3A_443 : i32
        %sub3A_445 = arith.constant 3 : i32
        %sub3A_446 = arith.subi %add3A_140, %sub3A_445 : i32
        %jit3A = arith.constant 68 : i32
        %select_n3A = arith.select %le3A_444, %sub3A_446, %jit3A : i32
        %jit3A_447 = arith.constant 67 : i32
        %select_n3A_448 = arith.select %eq3A_442, %jit3A_447, %select_n3A : i32
        %select_n3A_449 = arith.select %le3A_438, %sub3A_440, %select_n3A_448 : i32
        %jit3A_450 = arith.constant 66 : i32
        %select_n3A_451 = arith.select %eq3A_437, %jit3A_450, %select_n3A_449 : i32
        %jit3A_452 = arith.constant 65 : i32
        %select_n3A_453 = arith.select %eq3A_435, %jit3A_452, %select_n3A_451 : i32
        %select_n3A_454 = arith.select %lt3A_434, %add3A_140, %select_n3A_453 : i32
        %mul3A_455 = arith.constant 2 : i32
        %mul3A_456 = arith.muli %mul3A_455, %arg1 : i32
        %add3A_457 = arith.constant 0 : i32
        %add3A_458 = arith.addi %mul3A_456, %add3A_457 : i32
        %dma_start3A = arith.constant 0 : i32
        %dma_start3A_459 = tpu.memref_slice %arg5[%dma_start3A] : memref<2x!tpu.dma_semaphore, #tpu.memory_space<semaphore_mem>> -> memref<1x!tpu.dma_semaphore, #tpu.memory_space<semaphore_mem>>
        %dma_start3A_460 = tpu.memref_squeeze %dma_start3A_459 : memref<1x!tpu.dma_semaphore, #tpu.memory_space<semaphore_mem>> -> memref<!tpu.dma_semaphore, #tpu.memory_space<semaphore_mem>>
        %dma_start3A_461 = arith.constant 0 : i32
        %dma_start3A_462 = arith.constant 0 : i32
        %dma_start3A_463 = tpu.memref_slice %arg4[%add3A_458, %dma_start3A_461, %dma_start3A_462] : memref<6x720x361xf32, #tpu.memory_space<vmem_shared>> -> memref<1x720x361xf32, #tpu.memory_space<vmem_shared>>
        %dma_start3A_464 = tpu.memref_squeeze %dma_start3A_463 : memref<1x720x361xf32, #tpu.memory_space<vmem_shared>> -> memref<720x361xf32, #tpu.memory_space<vmem_shared>>
        %dma_start3A_465 = arith.constant 0 : i32
        %dma_start3A_466 = arith.constant 0 : i32
        %dma_start3A_467 = tpu.memref_slice %arg2[%select_n3A_454, %dma_start3A_465, %dma_start3A_466] : memref<69x720x361xf32, #tpu.memory_space<hbm>> -> memref<1x720x361xf32, #tpu.memory_space<hbm>>
        %dma_start3A_468 = tpu.memref_squeeze %dma_start3A_467 : memref<1x720x361xf32, #tpu.memory_space<hbm>> -> memref<720x361xf32, #tpu.memory_space<hbm>>
        tpu.enqueue_dma source(%dma_start3A_468 : memref<720x361xf32, #tpu.memory_space<hbm>>) target(%dma_start3A_464 : memref<720x361xf32, #tpu.memory_space<vmem_shared>>) target_semaphore(%dma_start3A_460 : memref<!tpu.dma_semaphore, #tpu.memory_space<semaphore_mem>>)
      } else {
      }
      %add3A_145 = arith.constant 12 : i32
      %add3A_146 = arith.addi %arg1, %add3A_145 : i32
      %mul3A_147 = arith.constant 2 : i32
      %mul3A_148 = arith.muli %mul3A_147, %add3A_146 : i32
      %add3A_149 = arith.addi %arg0, %mul3A_148 : i32
      %lt3A_150 = arith.cmpi slt, %add3A_146, %sub3A_0 : i32
      %convert_element_type3A_151 = arith.extui %lt3A_150 : i1 to i32
      %cond3A_152 = arith.constant 0 : i32
      %cond3A_153 = arith.cmpi ne, %convert_element_type3A_151, %cond3A_152 : i32
      scf.if %cond3A_153 {
        %mul3A_433 = arith.constant 2 : i32
        %mul3A_434 = arith.muli %mul3A_433, %arg1 : i32
        %add3A_435 = arith.constant 0 : i32
        %add3A_436 = arith.addi %mul3A_434, %add3A_435 : i32
        %dma_wait3A = arith.constant 0 : i32
        %dma_wait3A_437 = arith.constant 0 : i32
        %dma_wait3A_438 = tpu.memref_slice %arg5[%dma_wait3A_437] : memref<2x!tpu.dma_semaphore, #tpu.memory_space<semaphore_mem>> -> memref<1x!tpu.dma_semaphore, #tpu.memory_space<semaphore_mem>>
        %dma_wait3A_439 = tpu.memref_squeeze %dma_wait3A_438 : memref<1x!tpu.dma_semaphore, #tpu.memory_space<semaphore_mem>> -> memref<!tpu.dma_semaphore, #tpu.memory_space<semaphore_mem>>
        %dma_wait3A_440 = arith.constant 0 : i32
        %dma_wait3A_441 = arith.constant 0 : i32
        %dma_wait3A_442 = tpu.memref_slice %arg4[%add3A_436, %dma_wait3A_440, %dma_wait3A_441] : memref<6x720x361xf32, #tpu.memory_space<vmem_shared>> -> memref<1x720x361xf32, #tpu.memory_space<vmem_shared>>
        %dma_wait3A_443 = tpu.memref_squeeze %dma_wait3A_442 : memref<1x720x361xf32, #tpu.memory_space<vmem_shared>> -> memref<720x361xf32, #tpu.memory_space<vmem_shared>>
        %dma_wait3A_444 = arith.constant 0 : i32
        %dma_wait3A_445 = arith.constant 0 : i32
        %dma_wait3A_446 = tpu.memref_slice %arg2[%dma_wait3A, %dma_wait3A_444, %dma_wait3A_445] : memref<69x720x361xf32, #tpu.memory_space<hbm>> -> memref<1x720x361xf32, #tpu.memory_space<hbm>>
        %dma_wait3A_447 = tpu.memref_squeeze %dma_wait3A_446 : memref<1x720x361xf32, #tpu.memory_space<hbm>> -> memref<720x361xf32, #tpu.memory_space<hbm>>
        tpu.wait_dma2 semaphore(%dma_wait3A_439 : memref<!tpu.dma_semaphore, #tpu.memory_space<semaphore_mem>>) src(%dma_wait3A_447 : memref<720x361xf32, #tpu.memory_space<hbm>>) dst(%dma_wait3A_443 : memref<720x361xf32, #tpu.memory_space<vmem_shared>>)
      } else {
      }
      %add3A_154 = arith.constant 12 : i32
      %add3A_155 = arith.addi %arg1, %add3A_154 : i32
      %mul3A_156 = arith.constant 2 : i32
      %mul3A_157 = arith.muli %mul3A_156, %add3A_155 : i32
      %add3A_158 = arith.addi %arg0, %mul3A_157 : i32
      %lt3A_159 = arith.cmpi slt, %add3A_155, %sub3A_0 : i32
      %convert_element_type3A_160 = arith.extui %lt3A_159 : i1 to i32
      %cond3A_161 = arith.constant 0 : i32
      %cond3A_162 = arith.cmpi ne, %convert_element_type3A_160, %cond3A_161 : i32
      scf.if %cond3A_162 {
        %mul3A_433 = arith.constant 2 : i32
        %mul3A_434 = arith.muli %mul3A_433, %arg1 : i32
        %add3A_435 = arith.constant 0 : i32
        %add3A_436 = arith.addi %mul3A_434, %add3A_435 : i32
        %dma_start3A = arith.constant 0 : i32
        %dma_start3A_437 = tpu.memref_slice %arg6[%dma_start3A] : memref<2x!tpu.dma_semaphore, #tpu.memory_space<semaphore_mem>> -> memref<1x!tpu.dma_semaphore, #tpu.memory_space<semaphore_mem>>
        %dma_start3A_438 = tpu.memref_squeeze %dma_start3A_437 : memref<1x!tpu.dma_semaphore, #tpu.memory_space<semaphore_mem>> -> memref<!tpu.dma_semaphore, #tpu.memory_space<semaphore_mem>>
        %dma_start3A_439 = arith.constant 0 : i32
        %dma_start3A_440 = arith.constant 0 : i32
        %dma_start3A_441 = tpu.memref_slice %arg3[%add3A_158, %dma_start3A_439, %dma_start3A_440] : memref<69x720x361xf32, #tpu.memory_space<hbm>> -> memref<1x720x361xf32, #tpu.memory_space<hbm>>
        %dma_start3A_442 = tpu.memref_squeeze %dma_start3A_441 : memref<1x720x361xf32, #tpu.memory_space<hbm>> -> memref<720x361xf32, #tpu.memory_space<hbm>>
        %dma_start3A_443 = arith.constant 0 : i32
        %dma_start3A_444 = arith.constant 0 : i32
        %dma_start3A_445 = tpu.memref_slice %arg4[%add3A_436, %dma_start3A_443, %dma_start3A_444] : memref<6x720x361xf32, #tpu.memory_space<vmem_shared>> -> memref<1x720x361xf32, #tpu.memory_space<vmem_shared>>
        %dma_start3A_446 = tpu.memref_squeeze %dma_start3A_445 : memref<1x720x361xf32, #tpu.memory_space<vmem_shared>> -> memref<720x361xf32, #tpu.memory_space<vmem_shared>>
        tpu.enqueue_dma source(%dma_start3A_446 : memref<720x361xf32, #tpu.memory_space<vmem_shared>>) target(%dma_start3A_442 : memref<720x361xf32, #tpu.memory_space<hbm>>) target_semaphore(%dma_start3A_438 : memref<!tpu.dma_semaphore, #tpu.memory_space<semaphore_mem>>)
      } else {
      }
      %add3A_163 = arith.constant 9 : i32
      %add3A_164 = arith.addi %arg1, %add3A_163 : i32
      %mul3A_165 = arith.constant 2 : i32
      %mul3A_166 = arith.muli %mul3A_165, %add3A_164 : i32
      %add3A_167 = arith.addi %arg0, %mul3A_166 : i32
      %lt3A_168 = arith.cmpi slt, %add3A_164, %sub3A_0 : i32
      %convert_element_type3A_169 = arith.extui %lt3A_168 : i1 to i32
      %cond3A_170 = arith.constant 0 : i32
      %cond3A_171 = arith.cmpi ne, %convert_element_type3A_169, %cond3A_170 : i32
      scf.if %cond3A_171 {
        %mul3A_433 = arith.constant 2 : i32
        %mul3A_434 = arith.muli %mul3A_433, %arg1 : i32
        %add3A_435 = arith.constant 1 : i32
        %add3A_436 = arith.addi %mul3A_434, %add3A_435 : i32
        %dma_wait3A = arith.constant 0 : i32
        %dma_wait3A_437 = arith.constant 1 : i32
        %dma_wait3A_438 = tpu.memref_slice %arg6[%dma_wait3A_437] : memref<2x!tpu.dma_semaphore, #tpu.memory_space<semaphore_mem>> -> memref<1x!tpu.dma_semaphore, #tpu.memory_space<semaphore_mem>>
        %dma_wait3A_439 = tpu.memref_squeeze %dma_wait3A_438 : memref<1x!tpu.dma_semaphore, #tpu.memory_space<semaphore_mem>> -> memref<!tpu.dma_semaphore, #tpu.memory_space<semaphore_mem>>
        %dma_wait3A_440 = arith.constant 0 : i32
        %dma_wait3A_441 = arith.constant 0 : i32
        %dma_wait3A_442 = tpu.memref_slice %arg3[%dma_wait3A, %dma_wait3A_440, %dma_wait3A_441] : memref<69x720x361xf32, #tpu.memory_space<hbm>> -> memref<1x720x361xf32, #tpu.memory_space<hbm>>
        %dma_wait3A_443 = tpu.memref_squeeze %dma_wait3A_442 : memref<1x720x361xf32, #tpu.memory_space<hbm>> -> memref<720x361xf32, #tpu.memory_space<hbm>>
        %dma_wait3A_444 = arith.constant 0 : i32
        %dma_wait3A_445 = arith.constant 0 : i32
        %dma_wait3A_446 = tpu.memref_slice %arg4[%add3A_436, %dma_wait3A_444, %dma_wait3A_445] : memref<6x720x361xf32, #tpu.memory_space<vmem_shared>> -> memref<1x720x361xf32, #tpu.memory_space<vmem_shared>>
        %dma_wait3A_447 = tpu.memref_squeeze %dma_wait3A_446 : memref<1x720x361xf32, #tpu.memory_space<vmem_shared>> -> memref<720x361xf32, #tpu.memory_space<vmem_shared>>
        tpu.wait_dma2 semaphore(%dma_wait3A_439 : memref<!tpu.dma_semaphore, #tpu.memory_space<semaphore_mem>>) src(%dma_wait3A_447 : memref<720x361xf32, #tpu.memory_space<vmem_shared>>) dst(%dma_wait3A_443 : memref<720x361xf32, #tpu.memory_space<hbm>>)
      } else {
      }
      %add3A_172 = arith.constant 15 : i32
      %add3A_173 = arith.addi %arg1, %add3A_172 : i32
      %mul3A_174 = arith.constant 2 : i32
      %mul3A_175 = arith.muli %mul3A_174, %add3A_173 : i32
      %add3A_176 = arith.addi %arg0, %mul3A_175 : i32
      %lt3A_177 = arith.cmpi slt, %add3A_173, %sub3A_0 : i32
      %convert_element_type3A_178 = arith.extui %lt3A_177 : i1 to i32
      %cond3A_179 = arith.constant 0 : i32
      %cond3A_180 = arith.cmpi ne, %convert_element_type3A_178, %cond3A_179 : i32
      scf.if %cond3A_180 {
        %lt3A_433 = arith.constant 39 : i32
        %lt3A_434 = arith.cmpi slt, %add3A_176, %lt3A_433 : i32
        %eq3A = arith.constant 39 : i32
        %eq3A_435 = arith.cmpi eq, %add3A_176, %eq3A : i32
        %eq3A_436 = arith.constant 40 : i32
        %eq3A_437 = arith.cmpi eq, %add3A_176, %eq3A_436 : i32
        %le3A = arith.constant 53 : i32
        %le3A_438 = arith.cmpi sle, %add3A_176, %le3A : i32
        %sub3A_439 = arith.constant 2 : i32
        %sub3A_440 = arith.subi %add3A_176, %sub3A_439 : i32
        %eq3A_441 = arith.constant 54 : i32
        %eq3A_442 = arith.cmpi eq, %add3A_176, %eq3A_441 : i32
        %le3A_443 = arith.constant 67 : i32
        %le3A_444 = arith.cmpi sle, %add3A_176, %le3A_443 : i32
        %sub3A_445 = arith.constant 3 : i32
        %sub3A_446 = arith.subi %add3A_176, %sub3A_445 : i32
        %jit3A = arith.constant 68 : i32
        %select_n3A = arith.select %le3A_444, %sub3A_446, %jit3A : i32
        %jit3A_447 = arith.constant 67 : i32
        %select_n3A_448 = arith.select %eq3A_442, %jit3A_447, %select_n3A : i32
        %select_n3A_449 = arith.select %le3A_438, %sub3A_440, %select_n3A_448 : i32
        %jit3A_450 = arith.constant 66 : i32
        %select_n3A_451 = arith.select %eq3A_437, %jit3A_450, %select_n3A_449 : i32
        %jit3A_452 = arith.constant 65 : i32
        %select_n3A_453 = arith.select %eq3A_435, %jit3A_452, %select_n3A_451 : i32
        %select_n3A_454 = arith.select %lt3A_434, %add3A_176, %select_n3A_453 : i32
        %mul3A_455 = arith.constant 2 : i32
        %mul3A_456 = arith.muli %mul3A_455, %arg1 : i32
        %add3A_457 = arith.constant 1 : i32
        %add3A_458 = arith.addi %mul3A_456, %add3A_457 : i32
        %dma_start3A = arith.constant 1 : i32
        %dma_start3A_459 = tpu.memref_slice %arg5[%dma_start3A] : memref<2x!tpu.dma_semaphore, #tpu.memory_space<semaphore_mem>> -> memref<1x!tpu.dma_semaphore, #tpu.memory_space<semaphore_mem>>
        %dma_start3A_460 = tpu.memref_squeeze %dma_start3A_459 : memref<1x!tpu.dma_semaphore, #tpu.memory_space<semaphore_mem>> -> memref<!tpu.dma_semaphore, #tpu.memory_space<semaphore_mem>>
        %dma_start3A_461 = arith.constant 0 : i32
        %dma_start3A_462 = arith.constant 0 : i32
        %dma_start3A_463 = tpu.memref_slice %arg4[%add3A_458, %dma_start3A_461, %dma_start3A_462] : memref<6x720x361xf32, #tpu.memory_space<vmem_shared>> -> memref<1x720x361xf32, #tpu.memory_space<vmem_shared>>
        %dma_start3A_464 = tpu.memref_squeeze %dma_start3A_463 : memref<1x720x361xf32, #tpu.memory_space<vmem_shared>> -> memref<720x361xf32, #tpu.memory_space<vmem_shared>>
        %dma_start3A_465 = arith.constant 0 : i32
        %dma_start3A_466 = arith.constant 0 : i32
        %dma_start3A_467 = tpu.memref_slice %arg2[%select_n3A_454, %dma_start3A_465, %dma_start3A_466] : memref<69x720x361xf32, #tpu.memory_space<hbm>> -> memref<1x720x361xf32, #tpu.memory_space<hbm>>
        %dma_start3A_468 = tpu.memref_squeeze %dma_start3A_467 : memref<1x720x361xf32, #tpu.memory_space<hbm>> -> memref<720x361xf32, #tpu.memory_space<hbm>>
        tpu.enqueue_dma source(%dma_start3A_468 : memref<720x361xf32, #tpu.memory_space<hbm>>) target(%dma_start3A_464 : memref<720x361xf32, #tpu.memory_space<vmem_shared>>) target_semaphore(%dma_start3A_460 : memref<!tpu.dma_semaphore, #tpu.memory_space<semaphore_mem>>)
      } else {
      }
      %add3A_181 = arith.constant 15 : i32
      %add3A_182 = arith.addi %arg1, %add3A_181 : i32
      %mul3A_183 = arith.constant 2 : i32
      %mul3A_184 = arith.muli %mul3A_183, %add3A_182 : i32
      %add3A_185 = arith.addi %arg0, %mul3A_184 : i32
      %lt3A_186 = arith.cmpi slt, %add3A_182, %sub3A_0 : i32
      %convert_element_type3A_187 = arith.extui %lt3A_186 : i1 to i32
      %cond3A_188 = arith.constant 0 : i32
      %cond3A_189 = arith.cmpi ne, %convert_element_type3A_187, %cond3A_188 : i32
      scf.if %cond3A_189 {
        %mul3A_433 = arith.constant 2 : i32
        %mul3A_434 = arith.muli %mul3A_433, %arg1 : i32
        %add3A_435 = arith.constant 1 : i32
        %add3A_436 = arith.addi %mul3A_434, %add3A_435 : i32
        %dma_wait3A = arith.constant 0 : i32
        %dma_wait3A_437 = arith.constant 1 : i32
        %dma_wait3A_438 = tpu.memref_slice %arg5[%dma_wait3A_437] : memref<2x!tpu.dma_semaphore, #tpu.memory_space<semaphore_mem>> -> memref<1x!tpu.dma_semaphore, #tpu.memory_space<semaphore_mem>>
        %dma_wait3A_439 = tpu.memref_squeeze %dma_wait3A_438 : memref<1x!tpu.dma_semaphore, #tpu.memory_space<semaphore_mem>> -> memref<!tpu.dma_semaphore, #tpu.memory_space<semaphore_mem>>
        %dma_wait3A_440 = arith.constant 0 : i32
        %dma_wait3A_441 = arith.constant 0 : i32
        %dma_wait3A_442 = tpu.memref_slice %arg4[%add3A_436, %dma_wait3A_440, %dma_wait3A_441] : memref<6x720x361xf32, #tpu.memory_space<vmem_shared>> -> memref<1x720x361xf32, #tpu.memory_space<vmem_shared>>
        %dma_wait3A_443 = tpu.memref_squeeze %dma_wait3A_442 : memref<1x720x361xf32, #tpu.memory_space<vmem_shared>> -> memref<720x361xf32, #tpu.memory_space<vmem_shared>>
        %dma_wait3A_444 = arith.constant 0 : i32
        %dma_wait3A_445 = arith.constant 0 : i32
        %dma_wait3A_446 = tpu.memref_slice %arg2[%dma_wait3A, %dma_wait3A_444, %dma_wait3A_445] : memref<69x720x361xf32, #tpu.memory_space<hbm>> -> memref<1x720x361xf32, #tpu.memory_space<hbm>>
        %dma_wait3A_447 = tpu.memref_squeeze %dma_wait3A_446 : memref<1x720x361xf32, #tpu.memory_space<hbm>> -> memref<720x361xf32, #tpu.memory_space<hbm>>
        tpu.wait_dma2 semaphore(%dma_wait3A_439 : memref<!tpu.dma_semaphore, #tpu.memory_space<semaphore_mem>>) src(%dma_wait3A_447 : memref<720x361xf32, #tpu.memory_space<hbm>>) dst(%dma_wait3A_443 : memref<720x361xf32, #tpu.memory_space<vmem_shared>>)
      } else {
      }
      %add3A_190 = arith.constant 15 : i32
      %add3A_191 = arith.addi %arg1, %add3A_190 : i32
      %mul3A_192 = arith.constant 2 : i32
      %mul3A_193 = arith.muli %mul3A_192, %add3A_191 : i32
      %add3A_194 = arith.addi %arg0, %mul3A_193 : i32
      %lt3A_195 = arith.cmpi slt, %add3A_191, %sub3A_0 : i32
      %convert_element_type3A_196 = arith.extui %lt3A_195 : i1 to i32
      %cond3A_197 = arith.constant 0 : i32
      %cond3A_198 = arith.cmpi ne, %convert_element_type3A_196, %cond3A_197 : i32
      scf.if %cond3A_198 {
        %mul3A_433 = arith.constant 2 : i32
        %mul3A_434 = arith.muli %mul3A_433, %arg1 : i32
        %add3A_435 = arith.constant 1 : i32
        %add3A_436 = arith.addi %mul3A_434, %add3A_435 : i32
        %dma_start3A = arith.constant 1 : i32
        %dma_start3A_437 = tpu.memref_slice %arg6[%dma_start3A] : memref<2x!tpu.dma_semaphore, #tpu.memory_space<semaphore_mem>> -> memref<1x!tpu.dma_semaphore, #tpu.memory_space<semaphore_mem>>
        %dma_start3A_438 = tpu.memref_squeeze %dma_start3A_437 : memref<1x!tpu.dma_semaphore, #tpu.memory_space<semaphore_mem>> -> memref<!tpu.dma_semaphore, #tpu.memory_space<semaphore_mem>>
        %dma_start3A_439 = arith.constant 0 : i32
        %dma_start3A_440 = arith.constant 0 : i32
        %dma_start3A_441 = tpu.memref_slice %arg3[%add3A_194, %dma_start3A_439, %dma_start3A_440] : memref<69x720x361xf32, #tpu.memory_space<hbm>> -> memref<1x720x361xf32, #tpu.memory_space<hbm>>
        %dma_start3A_442 = tpu.memref_squeeze %dma_start3A_441 : memref<1x720x361xf32, #tpu.memory_space<hbm>> -> memref<720x361xf32, #tpu.memory_space<hbm>>
        %dma_start3A_443 = arith.constant 0 : i32
        %dma_start3A_444 = arith.constant 0 : i32
        %dma_start3A_445 = tpu.memref_slice %arg4[%add3A_436, %dma_start3A_443, %dma_start3A_444] : memref<6x720x361xf32, #tpu.memory_space<vmem_shared>> -> memref<1x720x361xf32, #tpu.memory_space<vmem_shared>>
        %dma_start3A_446 = tpu.memref_squeeze %dma_start3A_445 : memref<1x720x361xf32, #tpu.memory_space<vmem_shared>> -> memref<720x361xf32, #tpu.memory_space<vmem_shared>>
        tpu.enqueue_dma source(%dma_start3A_446 : memref<720x361xf32, #tpu.memory_space<vmem_shared>>) target(%dma_start3A_442 : memref<720x361xf32, #tpu.memory_space<hbm>>) target_semaphore(%dma_start3A_438 : memref<!tpu.dma_semaphore, #tpu.memory_space<semaphore_mem>>)
      } else {
      }
      %add3A_199 = arith.constant 12 : i32
      %add3A_200 = arith.addi %arg1, %add3A_199 : i32
      %mul3A_201 = arith.constant 2 : i32
      %mul3A_202 = arith.muli %mul3A_201, %add3A_200 : i32
      %add3A_203 = arith.addi %arg0, %mul3A_202 : i32
      %lt3A_204 = arith.cmpi slt, %add3A_200, %sub3A_0 : i32
      %convert_element_type3A_205 = arith.extui %lt3A_204 : i1 to i32
      %cond3A_206 = arith.constant 0 : i32
      %cond3A_207 = arith.cmpi ne, %convert_element_type3A_205, %cond3A_206 : i32
      scf.if %cond3A_207 {
        %mul3A_433 = arith.constant 2 : i32
        %mul3A_434 = arith.muli %mul3A_433, %arg1 : i32
        %add3A_435 = arith.constant 0 : i32
        %add3A_436 = arith.addi %mul3A_434, %add3A_435 : i32
        %dma_wait3A = arith.constant 0 : i32
        %dma_wait3A_437 = arith.constant 0 : i32
        %dma_wait3A_438 = tpu.memref_slice %arg6[%dma_wait3A_437] : memref<2x!tpu.dma_semaphore, #tpu.memory_space<semaphore_mem>> -> memref<1x!tpu.dma_semaphore, #tpu.memory_space<semaphore_mem>>
        %dma_wait3A_439 = tpu.memref_squeeze %dma_wait3A_438 : memref<1x!tpu.dma_semaphore, #tpu.memory_space<semaphore_mem>> -> memref<!tpu.dma_semaphore, #tpu.memory_space<semaphore_mem>>
        %dma_wait3A_440 = arith.constant 0 : i32
        %dma_wait3A_441 = arith.constant 0 : i32
        %dma_wait3A_442 = tpu.memref_slice %arg3[%dma_wait3A, %dma_wait3A_440, %dma_wait3A_441] : memref<69x720x361xf32, #tpu.memory_space<hbm>> -> memref<1x720x361xf32, #tpu.memory_space<hbm>>
        %dma_wait3A_443 = tpu.memref_squeeze %dma_wait3A_442 : memref<1x720x361xf32, #tpu.memory_space<hbm>> -> memref<720x361xf32, #tpu.memory_space<hbm>>
        %dma_wait3A_444 = arith.constant 0 : i32
        %dma_wait3A_445 = arith.constant 0 : i32
        %dma_wait3A_446 = tpu.memref_slice %arg4[%add3A_436, %dma_wait3A_444, %dma_wait3A_445] : memref<6x720x361xf32, #tpu.memory_space<vmem_shared>> -> memref<1x720x361xf32, #tpu.memory_space<vmem_shared>>
        %dma_wait3A_447 = tpu.memref_squeeze %dma_wait3A_446 : memref<1x720x361xf32, #tpu.memory_space<vmem_shared>> -> memref<720x361xf32, #tpu.memory_space<vmem_shared>>
        tpu.wait_dma2 semaphore(%dma_wait3A_439 : memref<!tpu.dma_semaphore, #tpu.memory_space<semaphore_mem>>) src(%dma_wait3A_447 : memref<720x361xf32, #tpu.memory_space<vmem_shared>>) dst(%dma_wait3A_443 : memref<720x361xf32, #tpu.memory_space<hbm>>)
      } else {
      }
      %add3A_208 = arith.constant 18 : i32
      %add3A_209 = arith.addi %arg1, %add3A_208 : i32
      %mul3A_210 = arith.constant 2 : i32
      %mul3A_211 = arith.muli %mul3A_210, %add3A_209 : i32
      %add3A_212 = arith.addi %arg0, %mul3A_211 : i32
      %lt3A_213 = arith.cmpi slt, %add3A_209, %sub3A_0 : i32
      %convert_element_type3A_214 = arith.extui %lt3A_213 : i1 to i32
      %cond3A_215 = arith.constant 0 : i32
      %cond3A_216 = arith.cmpi ne, %convert_element_type3A_214, %cond3A_215 : i32
      scf.if %cond3A_216 {
        %lt3A_433 = arith.constant 39 : i32
        %lt3A_434 = arith.cmpi slt, %add3A_212, %lt3A_433 : i32
        %eq3A = arith.constant 39 : i32
        %eq3A_435 = arith.cmpi eq, %add3A_212, %eq3A : i32
        %eq3A_436 = arith.constant 40 : i32
        %eq3A_437 = arith.cmpi eq, %add3A_212, %eq3A_436 : i32
        %le3A = arith.constant 53 : i32
        %le3A_438 = arith.cmpi sle, %add3A_212, %le3A : i32
        %sub3A_439 = arith.constant 2 : i32
        %sub3A_440 = arith.subi %add3A_212, %sub3A_439 : i32
        %eq3A_441 = arith.constant 54 : i32
        %eq3A_442 = arith.cmpi eq, %add3A_212, %eq3A_441 : i32
        %le3A_443 = arith.constant 67 : i32
        %le3A_444 = arith.cmpi sle, %add3A_212, %le3A_443 : i32
        %sub3A_445 = arith.constant 3 : i32
        %sub3A_446 = arith.subi %add3A_212, %sub3A_445 : i32
        %jit3A = arith.constant 68 : i32
        %select_n3A = arith.select %le3A_444, %sub3A_446, %jit3A : i32
        %jit3A_447 = arith.constant 67 : i32
        %select_n3A_448 = arith.select %eq3A_442, %jit3A_447, %select_n3A : i32
        %select_n3A_449 = arith.select %le3A_438, %sub3A_440, %select_n3A_448 : i32
        %jit3A_450 = arith.constant 66 : i32
        %select_n3A_451 = arith.select %eq3A_437, %jit3A_450, %select_n3A_449 : i32
        %jit3A_452 = arith.constant 65 : i32
        %select_n3A_453 = arith.select %eq3A_435, %jit3A_452, %select_n3A_451 : i32
        %select_n3A_454 = arith.select %lt3A_434, %add3A_212, %select_n3A_453 : i32
        %mul3A_455 = arith.constant 2 : i32
        %mul3A_456 = arith.muli %mul3A_455, %arg1 : i32
        %add3A_457 = arith.constant 0 : i32
        %add3A_458 = arith.addi %mul3A_456, %add3A_457 : i32
        %dma_start3A = arith.constant 0 : i32
        %dma_start3A_459 = tpu.memref_slice %arg5[%dma_start3A] : memref<2x!tpu.dma_semaphore, #tpu.memory_space<semaphore_mem>> -> memref<1x!tpu.dma_semaphore, #tpu.memory_space<semaphore_mem>>
        %dma_start3A_460 = tpu.memref_squeeze %dma_start3A_459 : memref<1x!tpu.dma_semaphore, #tpu.memory_space<semaphore_mem>> -> memref<!tpu.dma_semaphore, #tpu.memory_space<semaphore_mem>>
        %dma_start3A_461 = arith.constant 0 : i32
        %dma_start3A_462 = arith.constant 0 : i32
        %dma_start3A_463 = tpu.memref_slice %arg4[%add3A_458, %dma_start3A_461, %dma_start3A_462] : memref<6x720x361xf32, #tpu.memory_space<vmem_shared>> -> memref<1x720x361xf32, #tpu.memory_space<vmem_shared>>
        %dma_start3A_464 = tpu.memref_squeeze %dma_start3A_463 : memref<1x720x361xf32, #tpu.memory_space<vmem_shared>> -> memref<720x361xf32, #tpu.memory_space<vmem_shared>>
        %dma_start3A_465 = arith.constant 0 : i32
        %dma_start3A_466 = arith.constant 0 : i32
        %dma_start3A_467 = tpu.memref_slice %arg2[%select_n3A_454, %dma_start3A_465, %dma_start3A_466] : memref<69x720x361xf32, #tpu.memory_space<hbm>> -> memref<1x720x361xf32, #tpu.memory_space<hbm>>
        %dma_start3A_468 = tpu.memref_squeeze %dma_start3A_467 : memref<1x720x361xf32, #tpu.memory_space<hbm>> -> memref<720x361xf32, #tpu.memory_space<hbm>>
        tpu.enqueue_dma source(%dma_start3A_468 : memref<720x361xf32, #tpu.memory_space<hbm>>) target(%dma_start3A_464 : memref<720x361xf32, #tpu.memory_space<vmem_shared>>) target_semaphore(%dma_start3A_460 : memref<!tpu.dma_semaphore, #tpu.memory_space<semaphore_mem>>)
      } else {
      }
      %add3A_217 = arith.constant 18 : i32
      %add3A_218 = arith.addi %arg1, %add3A_217 : i32
      %mul3A_219 = arith.constant 2 : i32
      %mul3A_220 = arith.muli %mul3A_219, %add3A_218 : i32
      %add3A_221 = arith.addi %arg0, %mul3A_220 : i32
      %lt3A_222 = arith.cmpi slt, %add3A_218, %sub3A_0 : i32
      %convert_element_type3A_223 = arith.extui %lt3A_222 : i1 to i32
      %cond3A_224 = arith.constant 0 : i32
      %cond3A_225 = arith.cmpi ne, %convert_element_type3A_223, %cond3A_224 : i32
      scf.if %cond3A_225 {
        %mul3A_433 = arith.constant 2 : i32
        %mul3A_434 = arith.muli %mul3A_433, %arg1 : i32
        %add3A_435 = arith.constant 0 : i32
        %add3A_436 = arith.addi %mul3A_434, %add3A_435 : i32
        %dma_wait3A = arith.constant 0 : i32
        %dma_wait3A_437 = arith.constant 0 : i32
        %dma_wait3A_438 = tpu.memref_slice %arg5[%dma_wait3A_437] : memref<2x!tpu.dma_semaphore, #tpu.memory_space<semaphore_mem>> -> memref<1x!tpu.dma_semaphore, #tpu.memory_space<semaphore_mem>>
        %dma_wait3A_439 = tpu.memref_squeeze %dma_wait3A_438 : memref<1x!tpu.dma_semaphore, #tpu.memory_space<semaphore_mem>> -> memref<!tpu.dma_semaphore, #tpu.memory_space<semaphore_mem>>
        %dma_wait3A_440 = arith.constant 0 : i32
        %dma_wait3A_441 = arith.constant 0 : i32
        %dma_wait3A_442 = tpu.memref_slice %arg4[%add3A_436, %dma_wait3A_440, %dma_wait3A_441] : memref<6x720x361xf32, #tpu.memory_space<vmem_shared>> -> memref<1x720x361xf32, #tpu.memory_space<vmem_shared>>
        %dma_wait3A_443 = tpu.memref_squeeze %dma_wait3A_442 : memref<1x720x361xf32, #tpu.memory_space<vmem_shared>> -> memref<720x361xf32, #tpu.memory_space<vmem_shared>>
        %dma_wait3A_444 = arith.constant 0 : i32
        %dma_wait3A_445 = arith.constant 0 : i32
        %dma_wait3A_446 = tpu.memref_slice %arg2[%dma_wait3A, %dma_wait3A_444, %dma_wait3A_445] : memref<69x720x361xf32, #tpu.memory_space<hbm>> -> memref<1x720x361xf32, #tpu.memory_space<hbm>>
        %dma_wait3A_447 = tpu.memref_squeeze %dma_wait3A_446 : memref<1x720x361xf32, #tpu.memory_space<hbm>> -> memref<720x361xf32, #tpu.memory_space<hbm>>
        tpu.wait_dma2 semaphore(%dma_wait3A_439 : memref<!tpu.dma_semaphore, #tpu.memory_space<semaphore_mem>>) src(%dma_wait3A_447 : memref<720x361xf32, #tpu.memory_space<hbm>>) dst(%dma_wait3A_443 : memref<720x361xf32, #tpu.memory_space<vmem_shared>>)
      } else {
      }
      %add3A_226 = arith.constant 18 : i32
      %add3A_227 = arith.addi %arg1, %add3A_226 : i32
      %mul3A_228 = arith.constant 2 : i32
      %mul3A_229 = arith.muli %mul3A_228, %add3A_227 : i32
      %add3A_230 = arith.addi %arg0, %mul3A_229 : i32
      %lt3A_231 = arith.cmpi slt, %add3A_227, %sub3A_0 : i32
      %convert_element_type3A_232 = arith.extui %lt3A_231 : i1 to i32
      %cond3A_233 = arith.constant 0 : i32
      %cond3A_234 = arith.cmpi ne, %convert_element_type3A_232, %cond3A_233 : i32
      scf.if %cond3A_234 {
        %mul3A_433 = arith.constant 2 : i32
        %mul3A_434 = arith.muli %mul3A_433, %arg1 : i32
        %add3A_435 = arith.constant 0 : i32
        %add3A_436 = arith.addi %mul3A_434, %add3A_435 : i32
        %dma_start3A = arith.constant 0 : i32
        %dma_start3A_437 = tpu.memref_slice %arg6[%dma_start3A] : memref<2x!tpu.dma_semaphore, #tpu.memory_space<semaphore_mem>> -> memref<1x!tpu.dma_semaphore, #tpu.memory_space<semaphore_mem>>
        %dma_start3A_438 = tpu.memref_squeeze %dma_start3A_437 : memref<1x!tpu.dma_semaphore, #tpu.memory_space<semaphore_mem>> -> memref<!tpu.dma_semaphore, #tpu.memory_space<semaphore_mem>>
        %dma_start3A_439 = arith.constant 0 : i32
        %dma_start3A_440 = arith.constant 0 : i32
        %dma_start3A_441 = tpu.memref_slice %arg3[%add3A_230, %dma_start3A_439, %dma_start3A_440] : memref<69x720x361xf32, #tpu.memory_space<hbm>> -> memref<1x720x361xf32, #tpu.memory_space<hbm>>
        %dma_start3A_442 = tpu.memref_squeeze %dma_start3A_441 : memref<1x720x361xf32, #tpu.memory_space<hbm>> -> memref<720x361xf32, #tpu.memory_space<hbm>>
        %dma_start3A_443 = arith.constant 0 : i32
        %dma_start3A_444 = arith.constant 0 : i32
        %dma_start3A_445 = tpu.memref_slice %arg4[%add3A_436, %dma_start3A_443, %dma_start3A_444] : memref<6x720x361xf32, #tpu.memory_space<vmem_shared>> -> memref<1x720x361xf32, #tpu.memory_space<vmem_shared>>
        %dma_start3A_446 = tpu.memref_squeeze %dma_start3A_445 : memref<1x720x361xf32, #tpu.memory_space<vmem_shared>> -> memref<720x361xf32, #tpu.memory_space<vmem_shared>>
        tpu.enqueue_dma source(%dma_start3A_446 : memref<720x361xf32, #tpu.memory_space<vmem_shared>>) target(%dma_start3A_442 : memref<720x361xf32, #tpu.memory_space<hbm>>) target_semaphore(%dma_start3A_438 : memref<!tpu.dma_semaphore, #tpu.memory_space<semaphore_mem>>)
      } else {
      }
      %add3A_235 = arith.constant 15 : i32
      %add3A_236 = arith.addi %arg1, %add3A_235 : i32
      %mul3A_237 = arith.constant 2 : i32
      %mul3A_238 = arith.muli %mul3A_237, %add3A_236 : i32
      %add3A_239 = arith.addi %arg0, %mul3A_238 : i32
      %lt3A_240 = arith.cmpi slt, %add3A_236, %sub3A_0 : i32
      %convert_element_type3A_241 = arith.extui %lt3A_240 : i1 to i32
      %cond3A_242 = arith.constant 0 : i32
      %cond3A_243 = arith.cmpi ne, %convert_element_type3A_241, %cond3A_242 : i32
      scf.if %cond3A_243 {
        %mul3A_433 = arith.constant 2 : i32
        %mul3A_434 = arith.muli %mul3A_433, %arg1 : i32
        %add3A_435 = arith.constant 1 : i32
        %add3A_436 = arith.addi %mul3A_434, %add3A_435 : i32
        %dma_wait3A = arith.constant 0 : i32
        %dma_wait3A_437 = arith.constant 1 : i32
        %dma_wait3A_438 = tpu.memref_slice %arg6[%dma_wait3A_437] : memref<2x!tpu.dma_semaphore, #tpu.memory_space<semaphore_mem>> -> memref<1x!tpu.dma_semaphore, #tpu.memory_space<semaphore_mem>>
        %dma_wait3A_439 = tpu.memref_squeeze %dma_wait3A_438 : memref<1x!tpu.dma_semaphore, #tpu.memory_space<semaphore_mem>> -> memref<!tpu.dma_semaphore, #tpu.memory_space<semaphore_mem>>
        %dma_wait3A_440 = arith.constant 0 : i32
        %dma_wait3A_441 = arith.constant 0 : i32
        %dma_wait3A_442 = tpu.memref_slice %arg3[%dma_wait3A, %dma_wait3A_440, %dma_wait3A_441] : memref<69x720x361xf32, #tpu.memory_space<hbm>> -> memref<1x720x361xf32, #tpu.memory_space<hbm>>
        %dma_wait3A_443 = tpu.memref_squeeze %dma_wait3A_442 : memref<1x720x361xf32, #tpu.memory_space<hbm>> -> memref<720x361xf32, #tpu.memory_space<hbm>>
        %dma_wait3A_444 = arith.constant 0 : i32
        %dma_wait3A_445 = arith.constant 0 : i32
        %dma_wait3A_446 = tpu.memref_slice %arg4[%add3A_436, %dma_wait3A_444, %dma_wait3A_445] : memref<6x720x361xf32, #tpu.memory_space<vmem_shared>> -> memref<1x720x361xf32, #tpu.memory_space<vmem_shared>>
        %dma_wait3A_447 = tpu.memref_squeeze %dma_wait3A_446 : memref<1x720x361xf32, #tpu.memory_space<vmem_shared>> -> memref<720x361xf32, #tpu.memory_space<vmem_shared>>
        tpu.wait_dma2 semaphore(%dma_wait3A_439 : memref<!tpu.dma_semaphore, #tpu.memory_space<semaphore_mem>>) src(%dma_wait3A_447 : memref<720x361xf32, #tpu.memory_space<vmem_shared>>) dst(%dma_wait3A_443 : memref<720x361xf32, #tpu.memory_space<hbm>>)
      } else {
      }
      %add3A_244 = arith.constant 21 : i32
      %add3A_245 = arith.addi %arg1, %add3A_244 : i32
      %mul3A_246 = arith.constant 2 : i32
      %mul3A_247 = arith.muli %mul3A_246, %add3A_245 : i32
      %add3A_248 = arith.addi %arg0, %mul3A_247 : i32
      %lt3A_249 = arith.cmpi slt, %add3A_245, %sub3A_0 : i32
      %convert_element_type3A_250 = arith.extui %lt3A_249 : i1 to i32
      %cond3A_251 = arith.constant 0 : i32
      %cond3A_252 = arith.cmpi ne, %convert_element_type3A_250, %cond3A_251 : i32
      scf.if %cond3A_252 {
        %lt3A_433 = arith.constant 39 : i32
        %lt3A_434 = arith.cmpi slt, %add3A_248, %lt3A_433 : i32
        %eq3A = arith.constant 39 : i32
        %eq3A_435 = arith.cmpi eq, %add3A_248, %eq3A : i32
        %eq3A_436 = arith.constant 40 : i32
        %eq3A_437 = arith.cmpi eq, %add3A_248, %eq3A_436 : i32
        %le3A = arith.constant 53 : i32
        %le3A_438 = arith.cmpi sle, %add3A_248, %le3A : i32
        %sub3A_439 = arith.constant 2 : i32
        %sub3A_440 = arith.subi %add3A_248, %sub3A_439 : i32
        %eq3A_441 = arith.constant 54 : i32
        %eq3A_442 = arith.cmpi eq, %add3A_248, %eq3A_441 : i32
        %le3A_443 = arith.constant 67 : i32
        %le3A_444 = arith.cmpi sle, %add3A_248, %le3A_443 : i32
        %sub3A_445 = arith.constant 3 : i32
        %sub3A_446 = arith.subi %add3A_248, %sub3A_445 : i32
        %jit3A = arith.constant 68 : i32
        %select_n3A = arith.select %le3A_444, %sub3A_446, %jit3A : i32
        %jit3A_447 = arith.constant 67 : i32
        %select_n3A_448 = arith.select %eq3A_442, %jit3A_447, %select_n3A : i32
        %select_n3A_449 = arith.select %le3A_438, %sub3A_440, %select_n3A_448 : i32
        %jit3A_450 = arith.constant 66 : i32
        %select_n3A_451 = arith.select %eq3A_437, %jit3A_450, %select_n3A_449 : i32
        %jit3A_452 = arith.constant 65 : i32
        %select_n3A_453 = arith.select %eq3A_435, %jit3A_452, %select_n3A_451 : i32
        %select_n3A_454 = arith.select %lt3A_434, %add3A_248, %select_n3A_453 : i32
        %mul3A_455 = arith.constant 2 : i32
        %mul3A_456 = arith.muli %mul3A_455, %arg1 : i32
        %add3A_457 = arith.constant 1 : i32
        %add3A_458 = arith.addi %mul3A_456, %add3A_457 : i32
        %dma_start3A = arith.constant 1 : i32
        %dma_start3A_459 = tpu.memref_slice %arg5[%dma_start3A] : memref<2x!tpu.dma_semaphore, #tpu.memory_space<semaphore_mem>> -> memref<1x!tpu.dma_semaphore, #tpu.memory_space<semaphore_mem>>
        %dma_start3A_460 = tpu.memref_squeeze %dma_start3A_459 : memref<1x!tpu.dma_semaphore, #tpu.memory_space<semaphore_mem>> -> memref<!tpu.dma_semaphore, #tpu.memory_space<semaphore_mem>>
        %dma_start3A_461 = arith.constant 0 : i32
        %dma_start3A_462 = arith.constant 0 : i32
        %dma_start3A_463 = tpu.memref_slice %arg4[%add3A_458, %dma_start3A_461, %dma_start3A_462] : memref<6x720x361xf32, #tpu.memory_space<vmem_shared>> -> memref<1x720x361xf32, #tpu.memory_space<vmem_shared>>
        %dma_start3A_464 = tpu.memref_squeeze %dma_start3A_463 : memref<1x720x361xf32, #tpu.memory_space<vmem_shared>> -> memref<720x361xf32, #tpu.memory_space<vmem_shared>>
        %dma_start3A_465 = arith.constant 0 : i32
        %dma_start3A_466 = arith.constant 0 : i32
        %dma_start3A_467 = tpu.memref_slice %arg2[%select_n3A_454, %dma_start3A_465, %dma_start3A_466] : memref<69x720x361xf32, #tpu.memory_space<hbm>> -> memref<1x720x361xf32, #tpu.memory_space<hbm>>
        %dma_start3A_468 = tpu.memref_squeeze %dma_start3A_467 : memref<1x720x361xf32, #tpu.memory_space<hbm>> -> memref<720x361xf32, #tpu.memory_space<hbm>>
        tpu.enqueue_dma source(%dma_start3A_468 : memref<720x361xf32, #tpu.memory_space<hbm>>) target(%dma_start3A_464 : memref<720x361xf32, #tpu.memory_space<vmem_shared>>) target_semaphore(%dma_start3A_460 : memref<!tpu.dma_semaphore, #tpu.memory_space<semaphore_mem>>)
      } else {
      }
      %add3A_253 = arith.constant 21 : i32
      %add3A_254 = arith.addi %arg1, %add3A_253 : i32
      %mul3A_255 = arith.constant 2 : i32
      %mul3A_256 = arith.muli %mul3A_255, %add3A_254 : i32
      %add3A_257 = arith.addi %arg0, %mul3A_256 : i32
      %lt3A_258 = arith.cmpi slt, %add3A_254, %sub3A_0 : i32
      %convert_element_type3A_259 = arith.extui %lt3A_258 : i1 to i32
      %cond3A_260 = arith.constant 0 : i32
      %cond3A_261 = arith.cmpi ne, %convert_element_type3A_259, %cond3A_260 : i32
      scf.if %cond3A_261 {
        %mul3A_433 = arith.constant 2 : i32
        %mul3A_434 = arith.muli %mul3A_433, %arg1 : i32
        %add3A_435 = arith.constant 1 : i32
        %add3A_436 = arith.addi %mul3A_434, %add3A_435 : i32
        %dma_wait3A = arith.constant 0 : i32
        %dma_wait3A_437 = arith.constant 1 : i32
        %dma_wait3A_438 = tpu.memref_slice %arg5[%dma_wait3A_437] : memref<2x!tpu.dma_semaphore, #tpu.memory_space<semaphore_mem>> -> memref<1x!tpu.dma_semaphore, #tpu.memory_space<semaphore_mem>>
        %dma_wait3A_439 = tpu.memref_squeeze %dma_wait3A_438 : memref<1x!tpu.dma_semaphore, #tpu.memory_space<semaphore_mem>> -> memref<!tpu.dma_semaphore, #tpu.memory_space<semaphore_mem>>
        %dma_wait3A_440 = arith.constant 0 : i32
        %dma_wait3A_441 = arith.constant 0 : i32
        %dma_wait3A_442 = tpu.memref_slice %arg4[%add3A_436, %dma_wait3A_440, %dma_wait3A_441] : memref<6x720x361xf32, #tpu.memory_space<vmem_shared>> -> memref<1x720x361xf32, #tpu.memory_space<vmem_shared>>
        %dma_wait3A_443 = tpu.memref_squeeze %dma_wait3A_442 : memref<1x720x361xf32, #tpu.memory_space<vmem_shared>> -> memref<720x361xf32, #tpu.memory_space<vmem_shared>>
        %dma_wait3A_444 = arith.constant 0 : i32
        %dma_wait3A_445 = arith.constant 0 : i32
        %dma_wait3A_446 = tpu.memref_slice %arg2[%dma_wait3A, %dma_wait3A_444, %dma_wait3A_445] : memref<69x720x361xf32, #tpu.memory_space<hbm>> -> memref<1x720x361xf32, #tpu.memory_space<hbm>>
        %dma_wait3A_447 = tpu.memref_squeeze %dma_wait3A_446 : memref<1x720x361xf32, #tpu.memory_space<hbm>> -> memref<720x361xf32, #tpu.memory_space<hbm>>
        tpu.wait_dma2 semaphore(%dma_wait3A_439 : memref<!tpu.dma_semaphore, #tpu.memory_space<semaphore_mem>>) src(%dma_wait3A_447 : memref<720x361xf32, #tpu.memory_space<hbm>>) dst(%dma_wait3A_443 : memref<720x361xf32, #tpu.memory_space<vmem_shared>>)
      } else {
      }
      %add3A_262 = arith.constant 21 : i32
      %add3A_263 = arith.addi %arg1, %add3A_262 : i32
      %mul3A_264 = arith.constant 2 : i32
      %mul3A_265 = arith.muli %mul3A_264, %add3A_263 : i32
      %add3A_266 = arith.addi %arg0, %mul3A_265 : i32
      %lt3A_267 = arith.cmpi slt, %add3A_263, %sub3A_0 : i32
      %convert_element_type3A_268 = arith.extui %lt3A_267 : i1 to i32
      %cond3A_269 = arith.constant 0 : i32
      %cond3A_270 = arith.cmpi ne, %convert_element_type3A_268, %cond3A_269 : i32
      scf.if %cond3A_270 {
        %mul3A_433 = arith.constant 2 : i32
        %mul3A_434 = arith.muli %mul3A_433, %arg1 : i32
        %add3A_435 = arith.constant 1 : i32
        %add3A_436 = arith.addi %mul3A_434, %add3A_435 : i32
        %dma_start3A = arith.constant 1 : i32
        %dma_start3A_437 = tpu.memref_slice %arg6[%dma_start3A] : memref<2x!tpu.dma_semaphore, #tpu.memory_space<semaphore_mem>> -> memref<1x!tpu.dma_semaphore, #tpu.memory_space<semaphore_mem>>
        %dma_start3A_438 = tpu.memref_squeeze %dma_start3A_437 : memref<1x!tpu.dma_semaphore, #tpu.memory_space<semaphore_mem>> -> memref<!tpu.dma_semaphore, #tpu.memory_space<semaphore_mem>>
        %dma_start3A_439 = arith.constant 0 : i32
        %dma_start3A_440 = arith.constant 0 : i32
        %dma_start3A_441 = tpu.memref_slice %arg3[%add3A_266, %dma_start3A_439, %dma_start3A_440] : memref<69x720x361xf32, #tpu.memory_space<hbm>> -> memref<1x720x361xf32, #tpu.memory_space<hbm>>
        %dma_start3A_442 = tpu.memref_squeeze %dma_start3A_441 : memref<1x720x361xf32, #tpu.memory_space<hbm>> -> memref<720x361xf32, #tpu.memory_space<hbm>>
        %dma_start3A_443 = arith.constant 0 : i32
        %dma_start3A_444 = arith.constant 0 : i32
        %dma_start3A_445 = tpu.memref_slice %arg4[%add3A_436, %dma_start3A_443, %dma_start3A_444] : memref<6x720x361xf32, #tpu.memory_space<vmem_shared>> -> memref<1x720x361xf32, #tpu.memory_space<vmem_shared>>
        %dma_start3A_446 = tpu.memref_squeeze %dma_start3A_445 : memref<1x720x361xf32, #tpu.memory_space<vmem_shared>> -> memref<720x361xf32, #tpu.memory_space<vmem_shared>>
        tpu.enqueue_dma source(%dma_start3A_446 : memref<720x361xf32, #tpu.memory_space<vmem_shared>>) target(%dma_start3A_442 : memref<720x361xf32, #tpu.memory_space<hbm>>) target_semaphore(%dma_start3A_438 : memref<!tpu.dma_semaphore, #tpu.memory_space<semaphore_mem>>)
      } else {
      }
      %add3A_271 = arith.constant 18 : i32
      %add3A_272 = arith.addi %arg1, %add3A_271 : i32
      %mul3A_273 = arith.constant 2 : i32
      %mul3A_274 = arith.muli %mul3A_273, %add3A_272 : i32
      %add3A_275 = arith.addi %arg0, %mul3A_274 : i32
      %lt3A_276 = arith.cmpi slt, %add3A_272, %sub3A_0 : i32
      %convert_element_type3A_277 = arith.extui %lt3A_276 : i1 to i32
      %cond3A_278 = arith.constant 0 : i32
      %cond3A_279 = arith.cmpi ne, %convert_element_type3A_277, %cond3A_278 : i32
      scf.if %cond3A_279 {
        %mul3A_433 = arith.constant 2 : i32
        %mul3A_434 = arith.muli %mul3A_433, %arg1 : i32
        %add3A_435 = arith.constant 0 : i32
        %add3A_436 = arith.addi %mul3A_434, %add3A_435 : i32
        %dma_wait3A = arith.constant 0 : i32
        %dma_wait3A_437 = arith.constant 0 : i32
        %dma_wait3A_438 = tpu.memref_slice %arg6[%dma_wait3A_437] : memref<2x!tpu.dma_semaphore, #tpu.memory_space<semaphore_mem>> -> memref<1x!tpu.dma_semaphore, #tpu.memory_space<semaphore_mem>>
        %dma_wait3A_439 = tpu.memref_squeeze %dma_wait3A_438 : memref<1x!tpu.dma_semaphore, #tpu.memory_space<semaphore_mem>> -> memref<!tpu.dma_semaphore, #tpu.memory_space<semaphore_mem>>
        %dma_wait3A_440 = arith.constant 0 : i32
        %dma_wait3A_441 = arith.constant 0 : i32
        %dma_wait3A_442 = tpu.memref_slice %arg3[%dma_wait3A, %dma_wait3A_440, %dma_wait3A_441] : memref<69x720x361xf32, #tpu.memory_space<hbm>> -> memref<1x720x361xf32, #tpu.memory_space<hbm>>
        %dma_wait3A_443 = tpu.memref_squeeze %dma_wait3A_442 : memref<1x720x361xf32, #tpu.memory_space<hbm>> -> memref<720x361xf32, #tpu.memory_space<hbm>>
        %dma_wait3A_444 = arith.constant 0 : i32
        %dma_wait3A_445 = arith.constant 0 : i32
        %dma_wait3A_446 = tpu.memref_slice %arg4[%add3A_436, %dma_wait3A_444, %dma_wait3A_445] : memref<6x720x361xf32, #tpu.memory_space<vmem_shared>> -> memref<1x720x361xf32, #tpu.memory_space<vmem_shared>>
        %dma_wait3A_447 = tpu.memref_squeeze %dma_wait3A_446 : memref<1x720x361xf32, #tpu.memory_space<vmem_shared>> -> memref<720x361xf32, #tpu.memory_space<vmem_shared>>
        tpu.wait_dma2 semaphore(%dma_wait3A_439 : memref<!tpu.dma_semaphore, #tpu.memory_space<semaphore_mem>>) src(%dma_wait3A_447 : memref<720x361xf32, #tpu.memory_space<vmem_shared>>) dst(%dma_wait3A_443 : memref<720x361xf32, #tpu.memory_space<hbm>>)
      } else {
      }
      %add3A_280 = arith.constant 24 : i32
      %add3A_281 = arith.addi %arg1, %add3A_280 : i32
      %mul3A_282 = arith.constant 2 : i32
      %mul3A_283 = arith.muli %mul3A_282, %add3A_281 : i32
      %add3A_284 = arith.addi %arg0, %mul3A_283 : i32
      %lt3A_285 = arith.cmpi slt, %add3A_281, %sub3A_0 : i32
      %convert_element_type3A_286 = arith.extui %lt3A_285 : i1 to i32
      %cond3A_287 = arith.constant 0 : i32
      %cond3A_288 = arith.cmpi ne, %convert_element_type3A_286, %cond3A_287 : i32
      scf.if %cond3A_288 {
        %lt3A_433 = arith.constant 39 : i32
        %lt3A_434 = arith.cmpi slt, %add3A_284, %lt3A_433 : i32
        %eq3A = arith.constant 39 : i32
        %eq3A_435 = arith.cmpi eq, %add3A_284, %eq3A : i32
        %eq3A_436 = arith.constant 40 : i32
        %eq3A_437 = arith.cmpi eq, %add3A_284, %eq3A_436 : i32
        %le3A = arith.constant 53 : i32
        %le3A_438 = arith.cmpi sle, %add3A_284, %le3A : i32
        %sub3A_439 = arith.constant 2 : i32
        %sub3A_440 = arith.subi %add3A_284, %sub3A_439 : i32
        %eq3A_441 = arith.constant 54 : i32
        %eq3A_442 = arith.cmpi eq, %add3A_284, %eq3A_441 : i32
        %le3A_443 = arith.constant 67 : i32
        %le3A_444 = arith.cmpi sle, %add3A_284, %le3A_443 : i32
        %sub3A_445 = arith.constant 3 : i32
        %sub3A_446 = arith.subi %add3A_284, %sub3A_445 : i32
        %jit3A = arith.constant 68 : i32
        %select_n3A = arith.select %le3A_444, %sub3A_446, %jit3A : i32
        %jit3A_447 = arith.constant 67 : i32
        %select_n3A_448 = arith.select %eq3A_442, %jit3A_447, %select_n3A : i32
        %select_n3A_449 = arith.select %le3A_438, %sub3A_440, %select_n3A_448 : i32
        %jit3A_450 = arith.constant 66 : i32
        %select_n3A_451 = arith.select %eq3A_437, %jit3A_450, %select_n3A_449 : i32
        %jit3A_452 = arith.constant 65 : i32
        %select_n3A_453 = arith.select %eq3A_435, %jit3A_452, %select_n3A_451 : i32
        %select_n3A_454 = arith.select %lt3A_434, %add3A_284, %select_n3A_453 : i32
        %mul3A_455 = arith.constant 2 : i32
        %mul3A_456 = arith.muli %mul3A_455, %arg1 : i32
        %add3A_457 = arith.constant 0 : i32
        %add3A_458 = arith.addi %mul3A_456, %add3A_457 : i32
        %dma_start3A = arith.constant 0 : i32
        %dma_start3A_459 = tpu.memref_slice %arg5[%dma_start3A] : memref<2x!tpu.dma_semaphore, #tpu.memory_space<semaphore_mem>> -> memref<1x!tpu.dma_semaphore, #tpu.memory_space<semaphore_mem>>
        %dma_start3A_460 = tpu.memref_squeeze %dma_start3A_459 : memref<1x!tpu.dma_semaphore, #tpu.memory_space<semaphore_mem>> -> memref<!tpu.dma_semaphore, #tpu.memory_space<semaphore_mem>>
        %dma_start3A_461 = arith.constant 0 : i32
        %dma_start3A_462 = arith.constant 0 : i32
        %dma_start3A_463 = tpu.memref_slice %arg4[%add3A_458, %dma_start3A_461, %dma_start3A_462] : memref<6x720x361xf32, #tpu.memory_space<vmem_shared>> -> memref<1x720x361xf32, #tpu.memory_space<vmem_shared>>
        %dma_start3A_464 = tpu.memref_squeeze %dma_start3A_463 : memref<1x720x361xf32, #tpu.memory_space<vmem_shared>> -> memref<720x361xf32, #tpu.memory_space<vmem_shared>>
        %dma_start3A_465 = arith.constant 0 : i32
        %dma_start3A_466 = arith.constant 0 : i32
        %dma_start3A_467 = tpu.memref_slice %arg2[%select_n3A_454, %dma_start3A_465, %dma_start3A_466] : memref<69x720x361xf32, #tpu.memory_space<hbm>> -> memref<1x720x361xf32, #tpu.memory_space<hbm>>
        %dma_start3A_468 = tpu.memref_squeeze %dma_start3A_467 : memref<1x720x361xf32, #tpu.memory_space<hbm>> -> memref<720x361xf32, #tpu.memory_space<hbm>>
        tpu.enqueue_dma source(%dma_start3A_468 : memref<720x361xf32, #tpu.memory_space<hbm>>) target(%dma_start3A_464 : memref<720x361xf32, #tpu.memory_space<vmem_shared>>) target_semaphore(%dma_start3A_460 : memref<!tpu.dma_semaphore, #tpu.memory_space<semaphore_mem>>)
      } else {
      }
      %add3A_289 = arith.constant 24 : i32
      %add3A_290 = arith.addi %arg1, %add3A_289 : i32
      %mul3A_291 = arith.constant 2 : i32
      %mul3A_292 = arith.muli %mul3A_291, %add3A_290 : i32
      %add3A_293 = arith.addi %arg0, %mul3A_292 : i32
      %lt3A_294 = arith.cmpi slt, %add3A_290, %sub3A_0 : i32
      %convert_element_type3A_295 = arith.extui %lt3A_294 : i1 to i32
      %cond3A_296 = arith.constant 0 : i32
      %cond3A_297 = arith.cmpi ne, %convert_element_type3A_295, %cond3A_296 : i32
      scf.if %cond3A_297 {
        %mul3A_433 = arith.constant 2 : i32
        %mul3A_434 = arith.muli %mul3A_433, %arg1 : i32
        %add3A_435 = arith.constant 0 : i32
        %add3A_436 = arith.addi %mul3A_434, %add3A_435 : i32
        %dma_wait3A = arith.constant 0 : i32
        %dma_wait3A_437 = arith.constant 0 : i32
        %dma_wait3A_438 = tpu.memref_slice %arg5[%dma_wait3A_437] : memref<2x!tpu.dma_semaphore, #tpu.memory_space<semaphore_mem>> -> memref<1x!tpu.dma_semaphore, #tpu.memory_space<semaphore_mem>>
        %dma_wait3A_439 = tpu.memref_squeeze %dma_wait3A_438 : memref<1x!tpu.dma_semaphore, #tpu.memory_space<semaphore_mem>> -> memref<!tpu.dma_semaphore, #tpu.memory_space<semaphore_mem>>
        %dma_wait3A_440 = arith.constant 0 : i32
        %dma_wait3A_441 = arith.constant 0 : i32
        %dma_wait3A_442 = tpu.memref_slice %arg4[%add3A_436, %dma_wait3A_440, %dma_wait3A_441] : memref<6x720x361xf32, #tpu.memory_space<vmem_shared>> -> memref<1x720x361xf32, #tpu.memory_space<vmem_shared>>
        %dma_wait3A_443 = tpu.memref_squeeze %dma_wait3A_442 : memref<1x720x361xf32, #tpu.memory_space<vmem_shared>> -> memref<720x361xf32, #tpu.memory_space<vmem_shared>>
        %dma_wait3A_444 = arith.constant 0 : i32
        %dma_wait3A_445 = arith.constant 0 : i32
        %dma_wait3A_446 = tpu.memref_slice %arg2[%dma_wait3A, %dma_wait3A_444, %dma_wait3A_445] : memref<69x720x361xf32, #tpu.memory_space<hbm>> -> memref<1x720x361xf32, #tpu.memory_space<hbm>>
        %dma_wait3A_447 = tpu.memref_squeeze %dma_wait3A_446 : memref<1x720x361xf32, #tpu.memory_space<hbm>> -> memref<720x361xf32, #tpu.memory_space<hbm>>
        tpu.wait_dma2 semaphore(%dma_wait3A_439 : memref<!tpu.dma_semaphore, #tpu.memory_space<semaphore_mem>>) src(%dma_wait3A_447 : memref<720x361xf32, #tpu.memory_space<hbm>>) dst(%dma_wait3A_443 : memref<720x361xf32, #tpu.memory_space<vmem_shared>>)
      } else {
      }
      %add3A_298 = arith.constant 24 : i32
      %add3A_299 = arith.addi %arg1, %add3A_298 : i32
      %mul3A_300 = arith.constant 2 : i32
      %mul3A_301 = arith.muli %mul3A_300, %add3A_299 : i32
      %add3A_302 = arith.addi %arg0, %mul3A_301 : i32
      %lt3A_303 = arith.cmpi slt, %add3A_299, %sub3A_0 : i32
      %convert_element_type3A_304 = arith.extui %lt3A_303 : i1 to i32
      %cond3A_305 = arith.constant 0 : i32
      %cond3A_306 = arith.cmpi ne, %convert_element_type3A_304, %cond3A_305 : i32
      scf.if %cond3A_306 {
        %mul3A_433 = arith.constant 2 : i32
        %mul3A_434 = arith.muli %mul3A_433, %arg1 : i32
        %add3A_435 = arith.constant 0 : i32
        %add3A_436 = arith.addi %mul3A_434, %add3A_435 : i32
        %dma_start3A = arith.constant 0 : i32
        %dma_start3A_437 = tpu.memref_slice %arg6[%dma_start3A] : memref<2x!tpu.dma_semaphore, #tpu.memory_space<semaphore_mem>> -> memref<1x!tpu.dma_semaphore, #tpu.memory_space<semaphore_mem>>
        %dma_start3A_438 = tpu.memref_squeeze %dma_start3A_437 : memref<1x!tpu.dma_semaphore, #tpu.memory_space<semaphore_mem>> -> memref<!tpu.dma_semaphore, #tpu.memory_space<semaphore_mem>>
        %dma_start3A_439 = arith.constant 0 : i32
        %dma_start3A_440 = arith.constant 0 : i32
        %dma_start3A_441 = tpu.memref_slice %arg3[%add3A_302, %dma_start3A_439, %dma_start3A_440] : memref<69x720x361xf32, #tpu.memory_space<hbm>> -> memref<1x720x361xf32, #tpu.memory_space<hbm>>
        %dma_start3A_442 = tpu.memref_squeeze %dma_start3A_441 : memref<1x720x361xf32, #tpu.memory_space<hbm>> -> memref<720x361xf32, #tpu.memory_space<hbm>>
        %dma_start3A_443 = arith.constant 0 : i32
        %dma_start3A_444 = arith.constant 0 : i32
        %dma_start3A_445 = tpu.memref_slice %arg4[%add3A_436, %dma_start3A_443, %dma_start3A_444] : memref<6x720x361xf32, #tpu.memory_space<vmem_shared>> -> memref<1x720x361xf32, #tpu.memory_space<vmem_shared>>
        %dma_start3A_446 = tpu.memref_squeeze %dma_start3A_445 : memref<1x720x361xf32, #tpu.memory_space<vmem_shared>> -> memref<720x361xf32, #tpu.memory_space<vmem_shared>>
        tpu.enqueue_dma source(%dma_start3A_446 : memref<720x361xf32, #tpu.memory_space<vmem_shared>>) target(%dma_start3A_442 : memref<720x361xf32, #tpu.memory_space<hbm>>) target_semaphore(%dma_start3A_438 : memref<!tpu.dma_semaphore, #tpu.memory_space<semaphore_mem>>)
      } else {
      }
      %add3A_307 = arith.constant 21 : i32
      %add3A_308 = arith.addi %arg1, %add3A_307 : i32
      %mul3A_309 = arith.constant 2 : i32
      %mul3A_310 = arith.muli %mul3A_309, %add3A_308 : i32
      %add3A_311 = arith.addi %arg0, %mul3A_310 : i32
      %lt3A_312 = arith.cmpi slt, %add3A_308, %sub3A_0 : i32
      %convert_element_type3A_313 = arith.extui %lt3A_312 : i1 to i32
      %cond3A_314 = arith.constant 0 : i32
      %cond3A_315 = arith.cmpi ne, %convert_element_type3A_313, %cond3A_314 : i32
      scf.if %cond3A_315 {
        %mul3A_433 = arith.constant 2 : i32
        %mul3A_434 = arith.muli %mul3A_433, %arg1 : i32
        %add3A_435 = arith.constant 1 : i32
        %add3A_436 = arith.addi %mul3A_434, %add3A_435 : i32
        %dma_wait3A = arith.constant 0 : i32
        %dma_wait3A_437 = arith.constant 1 : i32
        %dma_wait3A_438 = tpu.memref_slice %arg6[%dma_wait3A_437] : memref<2x!tpu.dma_semaphore, #tpu.memory_space<semaphore_mem>> -> memref<1x!tpu.dma_semaphore, #tpu.memory_space<semaphore_mem>>
        %dma_wait3A_439 = tpu.memref_squeeze %dma_wait3A_438 : memref<1x!tpu.dma_semaphore, #tpu.memory_space<semaphore_mem>> -> memref<!tpu.dma_semaphore, #tpu.memory_space<semaphore_mem>>
        %dma_wait3A_440 = arith.constant 0 : i32
        %dma_wait3A_441 = arith.constant 0 : i32
        %dma_wait3A_442 = tpu.memref_slice %arg3[%dma_wait3A, %dma_wait3A_440, %dma_wait3A_441] : memref<69x720x361xf32, #tpu.memory_space<hbm>> -> memref<1x720x361xf32, #tpu.memory_space<hbm>>
        %dma_wait3A_443 = tpu.memref_squeeze %dma_wait3A_442 : memref<1x720x361xf32, #tpu.memory_space<hbm>> -> memref<720x361xf32, #tpu.memory_space<hbm>>
        %dma_wait3A_444 = arith.constant 0 : i32
        %dma_wait3A_445 = arith.constant 0 : i32
        %dma_wait3A_446 = tpu.memref_slice %arg4[%add3A_436, %dma_wait3A_444, %dma_wait3A_445] : memref<6x720x361xf32, #tpu.memory_space<vmem_shared>> -> memref<1x720x361xf32, #tpu.memory_space<vmem_shared>>
        %dma_wait3A_447 = tpu.memref_squeeze %dma_wait3A_446 : memref<1x720x361xf32, #tpu.memory_space<vmem_shared>> -> memref<720x361xf32, #tpu.memory_space<vmem_shared>>
        tpu.wait_dma2 semaphore(%dma_wait3A_439 : memref<!tpu.dma_semaphore, #tpu.memory_space<semaphore_mem>>) src(%dma_wait3A_447 : memref<720x361xf32, #tpu.memory_space<vmem_shared>>) dst(%dma_wait3A_443 : memref<720x361xf32, #tpu.memory_space<hbm>>)
      } else {
      }
      %add3A_316 = arith.constant 27 : i32
      %add3A_317 = arith.addi %arg1, %add3A_316 : i32
      %mul3A_318 = arith.constant 2 : i32
      %mul3A_319 = arith.muli %mul3A_318, %add3A_317 : i32
      %add3A_320 = arith.addi %arg0, %mul3A_319 : i32
      %lt3A_321 = arith.cmpi slt, %add3A_317, %sub3A_0 : i32
      %convert_element_type3A_322 = arith.extui %lt3A_321 : i1 to i32
      %cond3A_323 = arith.constant 0 : i32
      %cond3A_324 = arith.cmpi ne, %convert_element_type3A_322, %cond3A_323 : i32
      scf.if %cond3A_324 {
        %lt3A_433 = arith.constant 39 : i32
        %lt3A_434 = arith.cmpi slt, %add3A_320, %lt3A_433 : i32
        %eq3A = arith.constant 39 : i32
        %eq3A_435 = arith.cmpi eq, %add3A_320, %eq3A : i32
        %eq3A_436 = arith.constant 40 : i32
        %eq3A_437 = arith.cmpi eq, %add3A_320, %eq3A_436 : i32
        %le3A = arith.constant 53 : i32
        %le3A_438 = arith.cmpi sle, %add3A_320, %le3A : i32
        %sub3A_439 = arith.constant 2 : i32
        %sub3A_440 = arith.subi %add3A_320, %sub3A_439 : i32
        %eq3A_441 = arith.constant 54 : i32
        %eq3A_442 = arith.cmpi eq, %add3A_320, %eq3A_441 : i32
        %le3A_443 = arith.constant 67 : i32
        %le3A_444 = arith.cmpi sle, %add3A_320, %le3A_443 : i32
        %sub3A_445 = arith.constant 3 : i32
        %sub3A_446 = arith.subi %add3A_320, %sub3A_445 : i32
        %jit3A = arith.constant 68 : i32
        %select_n3A = arith.select %le3A_444, %sub3A_446, %jit3A : i32
        %jit3A_447 = arith.constant 67 : i32
        %select_n3A_448 = arith.select %eq3A_442, %jit3A_447, %select_n3A : i32
        %select_n3A_449 = arith.select %le3A_438, %sub3A_440, %select_n3A_448 : i32
        %jit3A_450 = arith.constant 66 : i32
        %select_n3A_451 = arith.select %eq3A_437, %jit3A_450, %select_n3A_449 : i32
        %jit3A_452 = arith.constant 65 : i32
        %select_n3A_453 = arith.select %eq3A_435, %jit3A_452, %select_n3A_451 : i32
        %select_n3A_454 = arith.select %lt3A_434, %add3A_320, %select_n3A_453 : i32
        %mul3A_455 = arith.constant 2 : i32
        %mul3A_456 = arith.muli %mul3A_455, %arg1 : i32
        %add3A_457 = arith.constant 1 : i32
        %add3A_458 = arith.addi %mul3A_456, %add3A_457 : i32
        %dma_start3A = arith.constant 1 : i32
        %dma_start3A_459 = tpu.memref_slice %arg5[%dma_start3A] : memref<2x!tpu.dma_semaphore, #tpu.memory_space<semaphore_mem>> -> memref<1x!tpu.dma_semaphore, #tpu.memory_space<semaphore_mem>>
        %dma_start3A_460 = tpu.memref_squeeze %dma_start3A_459 : memref<1x!tpu.dma_semaphore, #tpu.memory_space<semaphore_mem>> -> memref<!tpu.dma_semaphore, #tpu.memory_space<semaphore_mem>>
        %dma_start3A_461 = arith.constant 0 : i32
        %dma_start3A_462 = arith.constant 0 : i32
        %dma_start3A_463 = tpu.memref_slice %arg4[%add3A_458, %dma_start3A_461, %dma_start3A_462] : memref<6x720x361xf32, #tpu.memory_space<vmem_shared>> -> memref<1x720x361xf32, #tpu.memory_space<vmem_shared>>
        %dma_start3A_464 = tpu.memref_squeeze %dma_start3A_463 : memref<1x720x361xf32, #tpu.memory_space<vmem_shared>> -> memref<720x361xf32, #tpu.memory_space<vmem_shared>>
        %dma_start3A_465 = arith.constant 0 : i32
        %dma_start3A_466 = arith.constant 0 : i32
        %dma_start3A_467 = tpu.memref_slice %arg2[%select_n3A_454, %dma_start3A_465, %dma_start3A_466] : memref<69x720x361xf32, #tpu.memory_space<hbm>> -> memref<1x720x361xf32, #tpu.memory_space<hbm>>
        %dma_start3A_468 = tpu.memref_squeeze %dma_start3A_467 : memref<1x720x361xf32, #tpu.memory_space<hbm>> -> memref<720x361xf32, #tpu.memory_space<hbm>>
        tpu.enqueue_dma source(%dma_start3A_468 : memref<720x361xf32, #tpu.memory_space<hbm>>) target(%dma_start3A_464 : memref<720x361xf32, #tpu.memory_space<vmem_shared>>) target_semaphore(%dma_start3A_460 : memref<!tpu.dma_semaphore, #tpu.memory_space<semaphore_mem>>)
      } else {
      }
      %add3A_325 = arith.constant 27 : i32
      %add3A_326 = arith.addi %arg1, %add3A_325 : i32
      %mul3A_327 = arith.constant 2 : i32
      %mul3A_328 = arith.muli %mul3A_327, %add3A_326 : i32
      %add3A_329 = arith.addi %arg0, %mul3A_328 : i32
      %lt3A_330 = arith.cmpi slt, %add3A_326, %sub3A_0 : i32
      %convert_element_type3A_331 = arith.extui %lt3A_330 : i1 to i32
      %cond3A_332 = arith.constant 0 : i32
      %cond3A_333 = arith.cmpi ne, %convert_element_type3A_331, %cond3A_332 : i32
      scf.if %cond3A_333 {
        %mul3A_433 = arith.constant 2 : i32
        %mul3A_434 = arith.muli %mul3A_433, %arg1 : i32
        %add3A_435 = arith.constant 1 : i32
        %add3A_436 = arith.addi %mul3A_434, %add3A_435 : i32
        %dma_wait3A = arith.constant 0 : i32
        %dma_wait3A_437 = arith.constant 1 : i32
        %dma_wait3A_438 = tpu.memref_slice %arg5[%dma_wait3A_437] : memref<2x!tpu.dma_semaphore, #tpu.memory_space<semaphore_mem>> -> memref<1x!tpu.dma_semaphore, #tpu.memory_space<semaphore_mem>>
        %dma_wait3A_439 = tpu.memref_squeeze %dma_wait3A_438 : memref<1x!tpu.dma_semaphore, #tpu.memory_space<semaphore_mem>> -> memref<!tpu.dma_semaphore, #tpu.memory_space<semaphore_mem>>
        %dma_wait3A_440 = arith.constant 0 : i32
        %dma_wait3A_441 = arith.constant 0 : i32
        %dma_wait3A_442 = tpu.memref_slice %arg4[%add3A_436, %dma_wait3A_440, %dma_wait3A_441] : memref<6x720x361xf32, #tpu.memory_space<vmem_shared>> -> memref<1x720x361xf32, #tpu.memory_space<vmem_shared>>
        %dma_wait3A_443 = tpu.memref_squeeze %dma_wait3A_442 : memref<1x720x361xf32, #tpu.memory_space<vmem_shared>> -> memref<720x361xf32, #tpu.memory_space<vmem_shared>>
        %dma_wait3A_444 = arith.constant 0 : i32
        %dma_wait3A_445 = arith.constant 0 : i32
        %dma_wait3A_446 = tpu.memref_slice %arg2[%dma_wait3A, %dma_wait3A_444, %dma_wait3A_445] : memref<69x720x361xf32, #tpu.memory_space<hbm>> -> memref<1x720x361xf32, #tpu.memory_space<hbm>>
        %dma_wait3A_447 = tpu.memref_squeeze %dma_wait3A_446 : memref<1x720x361xf32, #tpu.memory_space<hbm>> -> memref<720x361xf32, #tpu.memory_space<hbm>>
        tpu.wait_dma2 semaphore(%dma_wait3A_439 : memref<!tpu.dma_semaphore, #tpu.memory_space<semaphore_mem>>) src(%dma_wait3A_447 : memref<720x361xf32, #tpu.memory_space<hbm>>) dst(%dma_wait3A_443 : memref<720x361xf32, #tpu.memory_space<vmem_shared>>)
      } else {
      }
      %add3A_334 = arith.constant 27 : i32
      %add3A_335 = arith.addi %arg1, %add3A_334 : i32
      %mul3A_336 = arith.constant 2 : i32
      %mul3A_337 = arith.muli %mul3A_336, %add3A_335 : i32
      %add3A_338 = arith.addi %arg0, %mul3A_337 : i32
      %lt3A_339 = arith.cmpi slt, %add3A_335, %sub3A_0 : i32
      %convert_element_type3A_340 = arith.extui %lt3A_339 : i1 to i32
      %cond3A_341 = arith.constant 0 : i32
      %cond3A_342 = arith.cmpi ne, %convert_element_type3A_340, %cond3A_341 : i32
      scf.if %cond3A_342 {
        %mul3A_433 = arith.constant 2 : i32
        %mul3A_434 = arith.muli %mul3A_433, %arg1 : i32
        %add3A_435 = arith.constant 1 : i32
        %add3A_436 = arith.addi %mul3A_434, %add3A_435 : i32
        %dma_start3A = arith.constant 1 : i32
        %dma_start3A_437 = tpu.memref_slice %arg6[%dma_start3A] : memref<2x!tpu.dma_semaphore, #tpu.memory_space<semaphore_mem>> -> memref<1x!tpu.dma_semaphore, #tpu.memory_space<semaphore_mem>>
        %dma_start3A_438 = tpu.memref_squeeze %dma_start3A_437 : memref<1x!tpu.dma_semaphore, #tpu.memory_space<semaphore_mem>> -> memref<!tpu.dma_semaphore, #tpu.memory_space<semaphore_mem>>
        %dma_start3A_439 = arith.constant 0 : i32
        %dma_start3A_440 = arith.constant 0 : i32
        %dma_start3A_441 = tpu.memref_slice %arg3[%add3A_338, %dma_start3A_439, %dma_start3A_440] : memref<69x720x361xf32, #tpu.memory_space<hbm>> -> memref<1x720x361xf32, #tpu.memory_space<hbm>>
        %dma_start3A_442 = tpu.memref_squeeze %dma_start3A_441 : memref<1x720x361xf32, #tpu.memory_space<hbm>> -> memref<720x361xf32, #tpu.memory_space<hbm>>
        %dma_start3A_443 = arith.constant 0 : i32
        %dma_start3A_444 = arith.constant 0 : i32
        %dma_start3A_445 = tpu.memref_slice %arg4[%add3A_436, %dma_start3A_443, %dma_start3A_444] : memref<6x720x361xf32, #tpu.memory_space<vmem_shared>> -> memref<1x720x361xf32, #tpu.memory_space<vmem_shared>>
        %dma_start3A_446 = tpu.memref_squeeze %dma_start3A_445 : memref<1x720x361xf32, #tpu.memory_space<vmem_shared>> -> memref<720x361xf32, #tpu.memory_space<vmem_shared>>
        tpu.enqueue_dma source(%dma_start3A_446 : memref<720x361xf32, #tpu.memory_space<vmem_shared>>) target(%dma_start3A_442 : memref<720x361xf32, #tpu.memory_space<hbm>>) target_semaphore(%dma_start3A_438 : memref<!tpu.dma_semaphore, #tpu.memory_space<semaphore_mem>>)
      } else {
      }
      %add3A_343 = arith.constant 24 : i32
      %add3A_344 = arith.addi %arg1, %add3A_343 : i32
      %mul3A_345 = arith.constant 2 : i32
      %mul3A_346 = arith.muli %mul3A_345, %add3A_344 : i32
      %add3A_347 = arith.addi %arg0, %mul3A_346 : i32
      %lt3A_348 = arith.cmpi slt, %add3A_344, %sub3A_0 : i32
      %convert_element_type3A_349 = arith.extui %lt3A_348 : i1 to i32
      %cond3A_350 = arith.constant 0 : i32
      %cond3A_351 = arith.cmpi ne, %convert_element_type3A_349, %cond3A_350 : i32
      scf.if %cond3A_351 {
        %mul3A_433 = arith.constant 2 : i32
        %mul3A_434 = arith.muli %mul3A_433, %arg1 : i32
        %add3A_435 = arith.constant 0 : i32
        %add3A_436 = arith.addi %mul3A_434, %add3A_435 : i32
        %dma_wait3A = arith.constant 0 : i32
        %dma_wait3A_437 = arith.constant 0 : i32
        %dma_wait3A_438 = tpu.memref_slice %arg6[%dma_wait3A_437] : memref<2x!tpu.dma_semaphore, #tpu.memory_space<semaphore_mem>> -> memref<1x!tpu.dma_semaphore, #tpu.memory_space<semaphore_mem>>
        %dma_wait3A_439 = tpu.memref_squeeze %dma_wait3A_438 : memref<1x!tpu.dma_semaphore, #tpu.memory_space<semaphore_mem>> -> memref<!tpu.dma_semaphore, #tpu.memory_space<semaphore_mem>>
        %dma_wait3A_440 = arith.constant 0 : i32
        %dma_wait3A_441 = arith.constant 0 : i32
        %dma_wait3A_442 = tpu.memref_slice %arg3[%dma_wait3A, %dma_wait3A_440, %dma_wait3A_441] : memref<69x720x361xf32, #tpu.memory_space<hbm>> -> memref<1x720x361xf32, #tpu.memory_space<hbm>>
        %dma_wait3A_443 = tpu.memref_squeeze %dma_wait3A_442 : memref<1x720x361xf32, #tpu.memory_space<hbm>> -> memref<720x361xf32, #tpu.memory_space<hbm>>
        %dma_wait3A_444 = arith.constant 0 : i32
        %dma_wait3A_445 = arith.constant 0 : i32
        %dma_wait3A_446 = tpu.memref_slice %arg4[%add3A_436, %dma_wait3A_444, %dma_wait3A_445] : memref<6x720x361xf32, #tpu.memory_space<vmem_shared>> -> memref<1x720x361xf32, #tpu.memory_space<vmem_shared>>
        %dma_wait3A_447 = tpu.memref_squeeze %dma_wait3A_446 : memref<1x720x361xf32, #tpu.memory_space<vmem_shared>> -> memref<720x361xf32, #tpu.memory_space<vmem_shared>>
        tpu.wait_dma2 semaphore(%dma_wait3A_439 : memref<!tpu.dma_semaphore, #tpu.memory_space<semaphore_mem>>) src(%dma_wait3A_447 : memref<720x361xf32, #tpu.memory_space<vmem_shared>>) dst(%dma_wait3A_443 : memref<720x361xf32, #tpu.memory_space<hbm>>)
      } else {
      }
      %add3A_352 = arith.constant 30 : i32
      %add3A_353 = arith.addi %arg1, %add3A_352 : i32
      %mul3A_354 = arith.constant 2 : i32
      %mul3A_355 = arith.muli %mul3A_354, %add3A_353 : i32
      %add3A_356 = arith.addi %arg0, %mul3A_355 : i32
      %lt3A_357 = arith.cmpi slt, %add3A_353, %sub3A_0 : i32
      %convert_element_type3A_358 = arith.extui %lt3A_357 : i1 to i32
      %cond3A_359 = arith.constant 0 : i32
      %cond3A_360 = arith.cmpi ne, %convert_element_type3A_358, %cond3A_359 : i32
      scf.if %cond3A_360 {
        %lt3A_433 = arith.constant 39 : i32
        %lt3A_434 = arith.cmpi slt, %add3A_356, %lt3A_433 : i32
        %eq3A = arith.constant 39 : i32
        %eq3A_435 = arith.cmpi eq, %add3A_356, %eq3A : i32
        %eq3A_436 = arith.constant 40 : i32
        %eq3A_437 = arith.cmpi eq, %add3A_356, %eq3A_436 : i32
        %le3A = arith.constant 53 : i32
        %le3A_438 = arith.cmpi sle, %add3A_356, %le3A : i32
        %sub3A_439 = arith.constant 2 : i32
        %sub3A_440 = arith.subi %add3A_356, %sub3A_439 : i32
        %eq3A_441 = arith.constant 54 : i32
        %eq3A_442 = arith.cmpi eq, %add3A_356, %eq3A_441 : i32
        %le3A_443 = arith.constant 67 : i32
        %le3A_444 = arith.cmpi sle, %add3A_356, %le3A_443 : i32
        %sub3A_445 = arith.constant 3 : i32
        %sub3A_446 = arith.subi %add3A_356, %sub3A_445 : i32
        %jit3A = arith.constant 68 : i32
        %select_n3A = arith.select %le3A_444, %sub3A_446, %jit3A : i32
        %jit3A_447 = arith.constant 67 : i32
        %select_n3A_448 = arith.select %eq3A_442, %jit3A_447, %select_n3A : i32
        %select_n3A_449 = arith.select %le3A_438, %sub3A_440, %select_n3A_448 : i32
        %jit3A_450 = arith.constant 66 : i32
        %select_n3A_451 = arith.select %eq3A_437, %jit3A_450, %select_n3A_449 : i32
        %jit3A_452 = arith.constant 65 : i32
        %select_n3A_453 = arith.select %eq3A_435, %jit3A_452, %select_n3A_451 : i32
        %select_n3A_454 = arith.select %lt3A_434, %add3A_356, %select_n3A_453 : i32
        %mul3A_455 = arith.constant 2 : i32
        %mul3A_456 = arith.muli %mul3A_455, %arg1 : i32
        %add3A_457 = arith.constant 0 : i32
        %add3A_458 = arith.addi %mul3A_456, %add3A_457 : i32
        %dma_start3A = arith.constant 0 : i32
        %dma_start3A_459 = tpu.memref_slice %arg5[%dma_start3A] : memref<2x!tpu.dma_semaphore, #tpu.memory_space<semaphore_mem>> -> memref<1x!tpu.dma_semaphore, #tpu.memory_space<semaphore_mem>>
        %dma_start3A_460 = tpu.memref_squeeze %dma_start3A_459 : memref<1x!tpu.dma_semaphore, #tpu.memory_space<semaphore_mem>> -> memref<!tpu.dma_semaphore, #tpu.memory_space<semaphore_mem>>
        %dma_start3A_461 = arith.constant 0 : i32
        %dma_start3A_462 = arith.constant 0 : i32
        %dma_start3A_463 = tpu.memref_slice %arg4[%add3A_458, %dma_start3A_461, %dma_start3A_462] : memref<6x720x361xf32, #tpu.memory_space<vmem_shared>> -> memref<1x720x361xf32, #tpu.memory_space<vmem_shared>>
        %dma_start3A_464 = tpu.memref_squeeze %dma_start3A_463 : memref<1x720x361xf32, #tpu.memory_space<vmem_shared>> -> memref<720x361xf32, #tpu.memory_space<vmem_shared>>
        %dma_start3A_465 = arith.constant 0 : i32
        %dma_start3A_466 = arith.constant 0 : i32
        %dma_start3A_467 = tpu.memref_slice %arg2[%select_n3A_454, %dma_start3A_465, %dma_start3A_466] : memref<69x720x361xf32, #tpu.memory_space<hbm>> -> memref<1x720x361xf32, #tpu.memory_space<hbm>>
        %dma_start3A_468 = tpu.memref_squeeze %dma_start3A_467 : memref<1x720x361xf32, #tpu.memory_space<hbm>> -> memref<720x361xf32, #tpu.memory_space<hbm>>
        tpu.enqueue_dma source(%dma_start3A_468 : memref<720x361xf32, #tpu.memory_space<hbm>>) target(%dma_start3A_464 : memref<720x361xf32, #tpu.memory_space<vmem_shared>>) target_semaphore(%dma_start3A_460 : memref<!tpu.dma_semaphore, #tpu.memory_space<semaphore_mem>>)
      } else {
      }
      %add3A_361 = arith.constant 30 : i32
      %add3A_362 = arith.addi %arg1, %add3A_361 : i32
      %mul3A_363 = arith.constant 2 : i32
      %mul3A_364 = arith.muli %mul3A_363, %add3A_362 : i32
      %add3A_365 = arith.addi %arg0, %mul3A_364 : i32
      %lt3A_366 = arith.cmpi slt, %add3A_362, %sub3A_0 : i32
      %convert_element_type3A_367 = arith.extui %lt3A_366 : i1 to i32
      %cond3A_368 = arith.constant 0 : i32
      %cond3A_369 = arith.cmpi ne, %convert_element_type3A_367, %cond3A_368 : i32
      scf.if %cond3A_369 {
        %mul3A_433 = arith.constant 2 : i32
        %mul3A_434 = arith.muli %mul3A_433, %arg1 : i32
        %add3A_435 = arith.constant 0 : i32
        %add3A_436 = arith.addi %mul3A_434, %add3A_435 : i32
        %dma_wait3A = arith.constant 0 : i32
        %dma_wait3A_437 = arith.constant 0 : i32
        %dma_wait3A_438 = tpu.memref_slice %arg5[%dma_wait3A_437] : memref<2x!tpu.dma_semaphore, #tpu.memory_space<semaphore_mem>> -> memref<1x!tpu.dma_semaphore, #tpu.memory_space<semaphore_mem>>
        %dma_wait3A_439 = tpu.memref_squeeze %dma_wait3A_438 : memref<1x!tpu.dma_semaphore, #tpu.memory_space<semaphore_mem>> -> memref<!tpu.dma_semaphore, #tpu.memory_space<semaphore_mem>>
        %dma_wait3A_440 = arith.constant 0 : i32
        %dma_wait3A_441 = arith.constant 0 : i32
        %dma_wait3A_442 = tpu.memref_slice %arg4[%add3A_436, %dma_wait3A_440, %dma_wait3A_441] : memref<6x720x361xf32, #tpu.memory_space<vmem_shared>> -> memref<1x720x361xf32, #tpu.memory_space<vmem_shared>>
        %dma_wait3A_443 = tpu.memref_squeeze %dma_wait3A_442 : memref<1x720x361xf32, #tpu.memory_space<vmem_shared>> -> memref<720x361xf32, #tpu.memory_space<vmem_shared>>
        %dma_wait3A_444 = arith.constant 0 : i32
        %dma_wait3A_445 = arith.constant 0 : i32
        %dma_wait3A_446 = tpu.memref_slice %arg2[%dma_wait3A, %dma_wait3A_444, %dma_wait3A_445] : memref<69x720x361xf32, #tpu.memory_space<hbm>> -> memref<1x720x361xf32, #tpu.memory_space<hbm>>
        %dma_wait3A_447 = tpu.memref_squeeze %dma_wait3A_446 : memref<1x720x361xf32, #tpu.memory_space<hbm>> -> memref<720x361xf32, #tpu.memory_space<hbm>>
        tpu.wait_dma2 semaphore(%dma_wait3A_439 : memref<!tpu.dma_semaphore, #tpu.memory_space<semaphore_mem>>) src(%dma_wait3A_447 : memref<720x361xf32, #tpu.memory_space<hbm>>) dst(%dma_wait3A_443 : memref<720x361xf32, #tpu.memory_space<vmem_shared>>)
      } else {
      }
      %add3A_370 = arith.constant 30 : i32
      %add3A_371 = arith.addi %arg1, %add3A_370 : i32
      %mul3A_372 = arith.constant 2 : i32
      %mul3A_373 = arith.muli %mul3A_372, %add3A_371 : i32
      %add3A_374 = arith.addi %arg0, %mul3A_373 : i32
      %lt3A_375 = arith.cmpi slt, %add3A_371, %sub3A_0 : i32
      %convert_element_type3A_376 = arith.extui %lt3A_375 : i1 to i32
      %cond3A_377 = arith.constant 0 : i32
      %cond3A_378 = arith.cmpi ne, %convert_element_type3A_376, %cond3A_377 : i32
      scf.if %cond3A_378 {
        %mul3A_433 = arith.constant 2 : i32
        %mul3A_434 = arith.muli %mul3A_433, %arg1 : i32
        %add3A_435 = arith.constant 0 : i32
        %add3A_436 = arith.addi %mul3A_434, %add3A_435 : i32
        %dma_start3A = arith.constant 0 : i32
        %dma_start3A_437 = tpu.memref_slice %arg6[%dma_start3A] : memref<2x!tpu.dma_semaphore, #tpu.memory_space<semaphore_mem>> -> memref<1x!tpu.dma_semaphore, #tpu.memory_space<semaphore_mem>>
        %dma_start3A_438 = tpu.memref_squeeze %dma_start3A_437 : memref<1x!tpu.dma_semaphore, #tpu.memory_space<semaphore_mem>> -> memref<!tpu.dma_semaphore, #tpu.memory_space<semaphore_mem>>
        %dma_start3A_439 = arith.constant 0 : i32
        %dma_start3A_440 = arith.constant 0 : i32
        %dma_start3A_441 = tpu.memref_slice %arg3[%add3A_374, %dma_start3A_439, %dma_start3A_440] : memref<69x720x361xf32, #tpu.memory_space<hbm>> -> memref<1x720x361xf32, #tpu.memory_space<hbm>>
        %dma_start3A_442 = tpu.memref_squeeze %dma_start3A_441 : memref<1x720x361xf32, #tpu.memory_space<hbm>> -> memref<720x361xf32, #tpu.memory_space<hbm>>
        %dma_start3A_443 = arith.constant 0 : i32
        %dma_start3A_444 = arith.constant 0 : i32
        %dma_start3A_445 = tpu.memref_slice %arg4[%add3A_436, %dma_start3A_443, %dma_start3A_444] : memref<6x720x361xf32, #tpu.memory_space<vmem_shared>> -> memref<1x720x361xf32, #tpu.memory_space<vmem_shared>>
        %dma_start3A_446 = tpu.memref_squeeze %dma_start3A_445 : memref<1x720x361xf32, #tpu.memory_space<vmem_shared>> -> memref<720x361xf32, #tpu.memory_space<vmem_shared>>
        tpu.enqueue_dma source(%dma_start3A_446 : memref<720x361xf32, #tpu.memory_space<vmem_shared>>) target(%dma_start3A_442 : memref<720x361xf32, #tpu.memory_space<hbm>>) target_semaphore(%dma_start3A_438 : memref<!tpu.dma_semaphore, #tpu.memory_space<semaphore_mem>>)
      } else {
      }
      %add3A_379 = arith.constant 27 : i32
      %add3A_380 = arith.addi %arg1, %add3A_379 : i32
      %mul3A_381 = arith.constant 2 : i32
      %mul3A_382 = arith.muli %mul3A_381, %add3A_380 : i32
      %add3A_383 = arith.addi %arg0, %mul3A_382 : i32
      %lt3A_384 = arith.cmpi slt, %add3A_380, %sub3A_0 : i32
      %convert_element_type3A_385 = arith.extui %lt3A_384 : i1 to i32
      %cond3A_386 = arith.constant 0 : i32
      %cond3A_387 = arith.cmpi ne, %convert_element_type3A_385, %cond3A_386 : i32
      scf.if %cond3A_387 {
        %mul3A_433 = arith.constant 2 : i32
        %mul3A_434 = arith.muli %mul3A_433, %arg1 : i32
        %add3A_435 = arith.constant 1 : i32
        %add3A_436 = arith.addi %mul3A_434, %add3A_435 : i32
        %dma_wait3A = arith.constant 0 : i32
        %dma_wait3A_437 = arith.constant 1 : i32
        %dma_wait3A_438 = tpu.memref_slice %arg6[%dma_wait3A_437] : memref<2x!tpu.dma_semaphore, #tpu.memory_space<semaphore_mem>> -> memref<1x!tpu.dma_semaphore, #tpu.memory_space<semaphore_mem>>
        %dma_wait3A_439 = tpu.memref_squeeze %dma_wait3A_438 : memref<1x!tpu.dma_semaphore, #tpu.memory_space<semaphore_mem>> -> memref<!tpu.dma_semaphore, #tpu.memory_space<semaphore_mem>>
        %dma_wait3A_440 = arith.constant 0 : i32
        %dma_wait3A_441 = arith.constant 0 : i32
        %dma_wait3A_442 = tpu.memref_slice %arg3[%dma_wait3A, %dma_wait3A_440, %dma_wait3A_441] : memref<69x720x361xf32, #tpu.memory_space<hbm>> -> memref<1x720x361xf32, #tpu.memory_space<hbm>>
        %dma_wait3A_443 = tpu.memref_squeeze %dma_wait3A_442 : memref<1x720x361xf32, #tpu.memory_space<hbm>> -> memref<720x361xf32, #tpu.memory_space<hbm>>
        %dma_wait3A_444 = arith.constant 0 : i32
        %dma_wait3A_445 = arith.constant 0 : i32
        %dma_wait3A_446 = tpu.memref_slice %arg4[%add3A_436, %dma_wait3A_444, %dma_wait3A_445] : memref<6x720x361xf32, #tpu.memory_space<vmem_shared>> -> memref<1x720x361xf32, #tpu.memory_space<vmem_shared>>
        %dma_wait3A_447 = tpu.memref_squeeze %dma_wait3A_446 : memref<1x720x361xf32, #tpu.memory_space<vmem_shared>> -> memref<720x361xf32, #tpu.memory_space<vmem_shared>>
        tpu.wait_dma2 semaphore(%dma_wait3A_439 : memref<!tpu.dma_semaphore, #tpu.memory_space<semaphore_mem>>) src(%dma_wait3A_447 : memref<720x361xf32, #tpu.memory_space<vmem_shared>>) dst(%dma_wait3A_443 : memref<720x361xf32, #tpu.memory_space<hbm>>)
      } else {
      }
      %add3A_388 = arith.constant 33 : i32
      %add3A_389 = arith.addi %arg1, %add3A_388 : i32
      %mul3A_390 = arith.constant 2 : i32
      %mul3A_391 = arith.muli %mul3A_390, %add3A_389 : i32
      %add3A_392 = arith.addi %arg0, %mul3A_391 : i32
      %lt3A_393 = arith.cmpi slt, %add3A_389, %sub3A_0 : i32
      %convert_element_type3A_394 = arith.extui %lt3A_393 : i1 to i32
      %cond3A_395 = arith.constant 0 : i32
      %cond3A_396 = arith.cmpi ne, %convert_element_type3A_394, %cond3A_395 : i32
      scf.if %cond3A_396 {
        %lt3A_433 = arith.constant 39 : i32
        %lt3A_434 = arith.cmpi slt, %add3A_392, %lt3A_433 : i32
        %eq3A = arith.constant 39 : i32
        %eq3A_435 = arith.cmpi eq, %add3A_392, %eq3A : i32
        %eq3A_436 = arith.constant 40 : i32
        %eq3A_437 = arith.cmpi eq, %add3A_392, %eq3A_436 : i32
        %le3A = arith.constant 53 : i32
        %le3A_438 = arith.cmpi sle, %add3A_392, %le3A : i32
        %sub3A_439 = arith.constant 2 : i32
        %sub3A_440 = arith.subi %add3A_392, %sub3A_439 : i32
        %eq3A_441 = arith.constant 54 : i32
        %eq3A_442 = arith.cmpi eq, %add3A_392, %eq3A_441 : i32
        %le3A_443 = arith.constant 67 : i32
        %le3A_444 = arith.cmpi sle, %add3A_392, %le3A_443 : i32
        %sub3A_445 = arith.constant 3 : i32
        %sub3A_446 = arith.subi %add3A_392, %sub3A_445 : i32
        %jit3A = arith.constant 68 : i32
        %select_n3A = arith.select %le3A_444, %sub3A_446, %jit3A : i32
        %jit3A_447 = arith.constant 67 : i32
        %select_n3A_448 = arith.select %eq3A_442, %jit3A_447, %select_n3A : i32
        %select_n3A_449 = arith.select %le3A_438, %sub3A_440, %select_n3A_448 : i32
        %jit3A_450 = arith.constant 66 : i32
        %select_n3A_451 = arith.select %eq3A_437, %jit3A_450, %select_n3A_449 : i32
        %jit3A_452 = arith.constant 65 : i32
        %select_n3A_453 = arith.select %eq3A_435, %jit3A_452, %select_n3A_451 : i32
        %select_n3A_454 = arith.select %lt3A_434, %add3A_392, %select_n3A_453 : i32
        %mul3A_455 = arith.constant 2 : i32
        %mul3A_456 = arith.muli %mul3A_455, %arg1 : i32
        %add3A_457 = arith.constant 1 : i32
        %add3A_458 = arith.addi %mul3A_456, %add3A_457 : i32
        %dma_start3A = arith.constant 1 : i32
        %dma_start3A_459 = tpu.memref_slice %arg5[%dma_start3A] : memref<2x!tpu.dma_semaphore, #tpu.memory_space<semaphore_mem>> -> memref<1x!tpu.dma_semaphore, #tpu.memory_space<semaphore_mem>>
        %dma_start3A_460 = tpu.memref_squeeze %dma_start3A_459 : memref<1x!tpu.dma_semaphore, #tpu.memory_space<semaphore_mem>> -> memref<!tpu.dma_semaphore, #tpu.memory_space<semaphore_mem>>
        %dma_start3A_461 = arith.constant 0 : i32
        %dma_start3A_462 = arith.constant 0 : i32
        %dma_start3A_463 = tpu.memref_slice %arg4[%add3A_458, %dma_start3A_461, %dma_start3A_462] : memref<6x720x361xf32, #tpu.memory_space<vmem_shared>> -> memref<1x720x361xf32, #tpu.memory_space<vmem_shared>>
        %dma_start3A_464 = tpu.memref_squeeze %dma_start3A_463 : memref<1x720x361xf32, #tpu.memory_space<vmem_shared>> -> memref<720x361xf32, #tpu.memory_space<vmem_shared>>
        %dma_start3A_465 = arith.constant 0 : i32
        %dma_start3A_466 = arith.constant 0 : i32
        %dma_start3A_467 = tpu.memref_slice %arg2[%select_n3A_454, %dma_start3A_465, %dma_start3A_466] : memref<69x720x361xf32, #tpu.memory_space<hbm>> -> memref<1x720x361xf32, #tpu.memory_space<hbm>>
        %dma_start3A_468 = tpu.memref_squeeze %dma_start3A_467 : memref<1x720x361xf32, #tpu.memory_space<hbm>> -> memref<720x361xf32, #tpu.memory_space<hbm>>
        tpu.enqueue_dma source(%dma_start3A_468 : memref<720x361xf32, #tpu.memory_space<hbm>>) target(%dma_start3A_464 : memref<720x361xf32, #tpu.memory_space<vmem_shared>>) target_semaphore(%dma_start3A_460 : memref<!tpu.dma_semaphore, #tpu.memory_space<semaphore_mem>>)
      } else {
      }
      %add3A_397 = arith.constant 33 : i32
      %add3A_398 = arith.addi %arg1, %add3A_397 : i32
      %mul3A_399 = arith.constant 2 : i32
      %mul3A_400 = arith.muli %mul3A_399, %add3A_398 : i32
      %add3A_401 = arith.addi %arg0, %mul3A_400 : i32
      %lt3A_402 = arith.cmpi slt, %add3A_398, %sub3A_0 : i32
      %convert_element_type3A_403 = arith.extui %lt3A_402 : i1 to i32
      %cond3A_404 = arith.constant 0 : i32
      %cond3A_405 = arith.cmpi ne, %convert_element_type3A_403, %cond3A_404 : i32
      scf.if %cond3A_405 {
        %mul3A_433 = arith.constant 2 : i32
        %mul3A_434 = arith.muli %mul3A_433, %arg1 : i32
        %add3A_435 = arith.constant 1 : i32
        %add3A_436 = arith.addi %mul3A_434, %add3A_435 : i32
        %dma_wait3A = arith.constant 0 : i32
        %dma_wait3A_437 = arith.constant 1 : i32
        %dma_wait3A_438 = tpu.memref_slice %arg5[%dma_wait3A_437] : memref<2x!tpu.dma_semaphore, #tpu.memory_space<semaphore_mem>> -> memref<1x!tpu.dma_semaphore, #tpu.memory_space<semaphore_mem>>
        %dma_wait3A_439 = tpu.memref_squeeze %dma_wait3A_438 : memref<1x!tpu.dma_semaphore, #tpu.memory_space<semaphore_mem>> -> memref<!tpu.dma_semaphore, #tpu.memory_space<semaphore_mem>>
        %dma_wait3A_440 = arith.constant 0 : i32
        %dma_wait3A_441 = arith.constant 0 : i32
        %dma_wait3A_442 = tpu.memref_slice %arg4[%add3A_436, %dma_wait3A_440, %dma_wait3A_441] : memref<6x720x361xf32, #tpu.memory_space<vmem_shared>> -> memref<1x720x361xf32, #tpu.memory_space<vmem_shared>>
        %dma_wait3A_443 = tpu.memref_squeeze %dma_wait3A_442 : memref<1x720x361xf32, #tpu.memory_space<vmem_shared>> -> memref<720x361xf32, #tpu.memory_space<vmem_shared>>
        %dma_wait3A_444 = arith.constant 0 : i32
        %dma_wait3A_445 = arith.constant 0 : i32
        %dma_wait3A_446 = tpu.memref_slice %arg2[%dma_wait3A, %dma_wait3A_444, %dma_wait3A_445] : memref<69x720x361xf32, #tpu.memory_space<hbm>> -> memref<1x720x361xf32, #tpu.memory_space<hbm>>
        %dma_wait3A_447 = tpu.memref_squeeze %dma_wait3A_446 : memref<1x720x361xf32, #tpu.memory_space<hbm>> -> memref<720x361xf32, #tpu.memory_space<hbm>>
        tpu.wait_dma2 semaphore(%dma_wait3A_439 : memref<!tpu.dma_semaphore, #tpu.memory_space<semaphore_mem>>) src(%dma_wait3A_447 : memref<720x361xf32, #tpu.memory_space<hbm>>) dst(%dma_wait3A_443 : memref<720x361xf32, #tpu.memory_space<vmem_shared>>)
      } else {
      }
      %add3A_406 = arith.constant 33 : i32
      %add3A_407 = arith.addi %arg1, %add3A_406 : i32
      %mul3A_408 = arith.constant 2 : i32
      %mul3A_409 = arith.muli %mul3A_408, %add3A_407 : i32
      %add3A_410 = arith.addi %arg0, %mul3A_409 : i32
      %lt3A_411 = arith.cmpi slt, %add3A_407, %sub3A_0 : i32
      %convert_element_type3A_412 = arith.extui %lt3A_411 : i1 to i32
      %cond3A_413 = arith.constant 0 : i32
      %cond3A_414 = arith.cmpi ne, %convert_element_type3A_412, %cond3A_413 : i32
      scf.if %cond3A_414 {
        %mul3A_433 = arith.constant 2 : i32
        %mul3A_434 = arith.muli %mul3A_433, %arg1 : i32
        %add3A_435 = arith.constant 1 : i32
        %add3A_436 = arith.addi %mul3A_434, %add3A_435 : i32
        %dma_start3A = arith.constant 1 : i32
        %dma_start3A_437 = tpu.memref_slice %arg6[%dma_start3A] : memref<2x!tpu.dma_semaphore, #tpu.memory_space<semaphore_mem>> -> memref<1x!tpu.dma_semaphore, #tpu.memory_space<semaphore_mem>>
        %dma_start3A_438 = tpu.memref_squeeze %dma_start3A_437 : memref<1x!tpu.dma_semaphore, #tpu.memory_space<semaphore_mem>> -> memref<!tpu.dma_semaphore, #tpu.memory_space<semaphore_mem>>
        %dma_start3A_439 = arith.constant 0 : i32
        %dma_start3A_440 = arith.constant 0 : i32
        %dma_start3A_441 = tpu.memref_slice %arg3[%add3A_410, %dma_start3A_439, %dma_start3A_440] : memref<69x720x361xf32, #tpu.memory_space<hbm>> -> memref<1x720x361xf32, #tpu.memory_space<hbm>>
        %dma_start3A_442 = tpu.memref_squeeze %dma_start3A_441 : memref<1x720x361xf32, #tpu.memory_space<hbm>> -> memref<720x361xf32, #tpu.memory_space<hbm>>
        %dma_start3A_443 = arith.constant 0 : i32
        %dma_start3A_444 = arith.constant 0 : i32
        %dma_start3A_445 = tpu.memref_slice %arg4[%add3A_436, %dma_start3A_443, %dma_start3A_444] : memref<6x720x361xf32, #tpu.memory_space<vmem_shared>> -> memref<1x720x361xf32, #tpu.memory_space<vmem_shared>>
        %dma_start3A_446 = tpu.memref_squeeze %dma_start3A_445 : memref<1x720x361xf32, #tpu.memory_space<vmem_shared>> -> memref<720x361xf32, #tpu.memory_space<vmem_shared>>
        tpu.enqueue_dma source(%dma_start3A_446 : memref<720x361xf32, #tpu.memory_space<vmem_shared>>) target(%dma_start3A_442 : memref<720x361xf32, #tpu.memory_space<hbm>>) target_semaphore(%dma_start3A_438 : memref<!tpu.dma_semaphore, #tpu.memory_space<semaphore_mem>>)
      } else {
      }
      %add3A_415 = arith.constant 30 : i32
      %add3A_416 = arith.addi %arg1, %add3A_415 : i32
      %mul3A_417 = arith.constant 2 : i32
      %mul3A_418 = arith.muli %mul3A_417, %add3A_416 : i32
      %add3A_419 = arith.addi %arg0, %mul3A_418 : i32
      %lt3A_420 = arith.cmpi slt, %add3A_416, %sub3A_0 : i32
      %convert_element_type3A_421 = arith.extui %lt3A_420 : i1 to i32
      %cond3A_422 = arith.constant 0 : i32
      %cond3A_423 = arith.cmpi ne, %convert_element_type3A_421, %cond3A_422 : i32
      scf.if %cond3A_423 {
        %mul3A_433 = arith.constant 2 : i32
        %mul3A_434 = arith.muli %mul3A_433, %arg1 : i32
        %add3A_435 = arith.constant 0 : i32
        %add3A_436 = arith.addi %mul3A_434, %add3A_435 : i32
        %dma_wait3A = arith.constant 0 : i32
        %dma_wait3A_437 = arith.constant 0 : i32
        %dma_wait3A_438 = tpu.memref_slice %arg6[%dma_wait3A_437] : memref<2x!tpu.dma_semaphore, #tpu.memory_space<semaphore_mem>> -> memref<1x!tpu.dma_semaphore, #tpu.memory_space<semaphore_mem>>
        %dma_wait3A_439 = tpu.memref_squeeze %dma_wait3A_438 : memref<1x!tpu.dma_semaphore, #tpu.memory_space<semaphore_mem>> -> memref<!tpu.dma_semaphore, #tpu.memory_space<semaphore_mem>>
        %dma_wait3A_440 = arith.constant 0 : i32
        %dma_wait3A_441 = arith.constant 0 : i32
        %dma_wait3A_442 = tpu.memref_slice %arg3[%dma_wait3A, %dma_wait3A_440, %dma_wait3A_441] : memref<69x720x361xf32, #tpu.memory_space<hbm>> -> memref<1x720x361xf32, #tpu.memory_space<hbm>>
        %dma_wait3A_443 = tpu.memref_squeeze %dma_wait3A_442 : memref<1x720x361xf32, #tpu.memory_space<hbm>> -> memref<720x361xf32, #tpu.memory_space<hbm>>
        %dma_wait3A_444 = arith.constant 0 : i32
        %dma_wait3A_445 = arith.constant 0 : i32
        %dma_wait3A_446 = tpu.memref_slice %arg4[%add3A_436, %dma_wait3A_444, %dma_wait3A_445] : memref<6x720x361xf32, #tpu.memory_space<vmem_shared>> -> memref<1x720x361xf32, #tpu.memory_space<vmem_shared>>
        %dma_wait3A_447 = tpu.memref_squeeze %dma_wait3A_446 : memref<1x720x361xf32, #tpu.memory_space<vmem_shared>> -> memref<720x361xf32, #tpu.memory_space<vmem_shared>>
        tpu.wait_dma2 semaphore(%dma_wait3A_439 : memref<!tpu.dma_semaphore, #tpu.memory_space<semaphore_mem>>) src(%dma_wait3A_447 : memref<720x361xf32, #tpu.memory_space<vmem_shared>>) dst(%dma_wait3A_443 : memref<720x361xf32, #tpu.memory_space<hbm>>)
      } else {
      }
      %add3A_424 = arith.constant 33 : i32
      %add3A_425 = arith.addi %arg1, %add3A_424 : i32
      %mul3A_426 = arith.constant 2 : i32
      %mul3A_427 = arith.muli %mul3A_426, %add3A_425 : i32
      %add3A_428 = arith.addi %arg0, %mul3A_427 : i32
      %lt3A_429 = arith.cmpi slt, %add3A_425, %sub3A_0 : i32
      %convert_element_type3A_430 = arith.extui %lt3A_429 : i1 to i32
      %cond3A_431 = arith.constant 0 : i32
      %cond3A_432 = arith.cmpi ne, %convert_element_type3A_430, %cond3A_431 : i32
      scf.if %cond3A_432 {
        %mul3A_433 = arith.constant 2 : i32
        %mul3A_434 = arith.muli %mul3A_433, %arg1 : i32
        %add3A_435 = arith.constant 1 : i32
        %add3A_436 = arith.addi %mul3A_434, %add3A_435 : i32
        %dma_wait3A = arith.constant 0 : i32
        %dma_wait3A_437 = arith.constant 1 : i32
        %dma_wait3A_438 = tpu.memref_slice %arg6[%dma_wait3A_437] : memref<2x!tpu.dma_semaphore, #tpu.memory_space<semaphore_mem>> -> memref<1x!tpu.dma_semaphore, #tpu.memory_space<semaphore_mem>>
        %dma_wait3A_439 = tpu.memref_squeeze %dma_wait3A_438 : memref<1x!tpu.dma_semaphore, #tpu.memory_space<semaphore_mem>> -> memref<!tpu.dma_semaphore, #tpu.memory_space<semaphore_mem>>
        %dma_wait3A_440 = arith.constant 0 : i32
        %dma_wait3A_441 = arith.constant 0 : i32
        %dma_wait3A_442 = tpu.memref_slice %arg3[%dma_wait3A, %dma_wait3A_440, %dma_wait3A_441] : memref<69x720x361xf32, #tpu.memory_space<hbm>> -> memref<1x720x361xf32, #tpu.memory_space<hbm>>
        %dma_wait3A_443 = tpu.memref_squeeze %dma_wait3A_442 : memref<1x720x361xf32, #tpu.memory_space<hbm>> -> memref<720x361xf32, #tpu.memory_space<hbm>>
        %dma_wait3A_444 = arith.constant 0 : i32
        %dma_wait3A_445 = arith.constant 0 : i32
        %dma_wait3A_446 = tpu.memref_slice %arg4[%add3A_436, %dma_wait3A_444, %dma_wait3A_445] : memref<6x720x361xf32, #tpu.memory_space<vmem_shared>> -> memref<1x720x361xf32, #tpu.memory_space<vmem_shared>>
        %dma_wait3A_447 = tpu.memref_squeeze %dma_wait3A_446 : memref<1x720x361xf32, #tpu.memory_space<vmem_shared>> -> memref<720x361xf32, #tpu.memory_space<vmem_shared>>
        tpu.wait_dma2 semaphore(%dma_wait3A_439 : memref<!tpu.dma_semaphore, #tpu.memory_space<semaphore_mem>>) src(%dma_wait3A_447 : memref<720x361xf32, #tpu.memory_space<vmem_shared>>) dst(%dma_wait3A_443 : memref<720x361xf32, #tpu.memory_space<hbm>>)
      } else {
      }
    } else {
    }
    return
  }
}

</mosaic_0001>

<sc_bundles>
// kernel: kernel.3.cloned.1.call-start
scs
__scs_entry_jumppad:
0x0: {  	(pc) =	sbr.rel $0x88, $3  }
0x1: {  	(tag) =	ssettag $0x0;
	lr =	simm.s32 $0x1  }
0x2: {  	[smem:$0x3FA0] =	sst lr;
	_ =	strace $0xD0000000  }
0x3: {  	_ = 	snop  }
0x4: {  	_ = 	snop  }
0x5: {  	_ = 	snop  }
0x6: {  	_ = 	snop  }
0x7: {  	_ = 	snop  }
__scs_overlays_trampoline_lowered:
0x8: {  	[smem:$0x3FAF] =	sst s0  }
0x9: {  	[smem:$0x3FB0] =	sst s1  }
0xa: {  	[smem:$0x3FB1] =	sst s2  }
0xb: {  	[smem:$0x3FB2] =	sst s3  }
0xc: {  	[smem:$0x3FB3] =	sst s4  }
0xd: {  	[smem:$0x3FB4] =	sst s5  }
0xe: {  	[smem:$0x3FB5] =	sst s6  }
0xf: {  	[smem:$0x3FB6] =	sst s7  }
0x10: {  	[smem:$0x3FB7] =	sst s8  }
0x11: {  	[smem:$0x3FB8] =	sst s9;
	s0 =	simm.s32 @!p0 $0x0  }
0x12: {  	s1 =	sld [smem:$0x3F9E];
	s0 =	simm.s32 @p0 $0x1  }
0x13: {  	[smem:$0x3FB9] =	sst s0;
	s0 =	simm.s32 @!p1 $0x0  }
0x14: {  	s2 =	sld [smem:$0x3F9D];
	s0 =	simm.s32 @p1 $0x1  }
0x15: {  	[smem:$0x3FBA] =	sst s0;
	s0 =	simm.s32 @!p2 $0x0  }
0x16: {  	s3 =	sld [smem:$0x3FDB];
	s0 =	simm.s32 @p2 $0x1  }
0x17: {  	s4 =	simm.s32 $0x1BF5;
	[smem:$0x3FBC] =	sst s0  }
0x18: {  	s0 =	sld [smem:$0x3F9F];
	_ =	swait.ge [sflag:s4], $0x0  }
0x19: {  	s7 =	sld [smem:$0x3FA0]  }
0x1a: {  	s8 =	sadd.s32 $0xFFFFE003, lr  }
0x1b: {  	s9 =	sadd.s32 $0xFFFFFEF7, lr;
	s5 =	simm.s32 $0xFFFFFFFF;
	p2 =	slt.u32 s8, $0xFFFFF086  }
0x1c: {  	p1 =	slt.u32 s9, $0xF7A;
	s5 =	simm.s32 @!p2 $0x0  }
0x1d: {  	s5 =	simm.s32 @p1 $0x1;
	p0 =	seq.s32 s7, s2  }
0x1e: {  	s7 =	smul.u32 @!p0 $0xF7A, s2;
	p2 =	seq.s32 @!p0 s5, $0x0  }
0x1f: {  	s9 =	smul.u32 $0xF7A, s1;
	s8 =	simm.s32 @!p0 $0x1BF5;
	p2 =	por !p2, p0  }
0x20: {  	[sflag:s8] =	ssyncset.s32 @!p0 $0xFFFFF086;
	s6 =	sadd.s32 @!p0 s3, s7;
	s7 =	simm.s32 @!p0 $0x108  }
0x21: {  	s3 =	sadd.s32 s3, s9;
	s6 =	sadd.s32 @!p0 $0x88, s6;
	s7 =	simm.s32 @p2 $0x1082  }
0x22: {  	[simem:s7], [sflag:s8] =	dma.local @!p0 [hbm:s6], $0xF7A  }
0x23: {  	s9 =	sor.u32 $0xD0000000, s2;
	s6 =	simm.s32 $0x108;
	_ =	swait.ge @!p0 [sflag:s8], $0x0  }
0x24: {  	s3 =	sadd.s32 $0x88, s3;
	s6 =	simm.s32 @!p1 $0x1082;
	[sflag:s4] =	ssyncset.s32 $0xFFFFF086  }
0x25: {  	[simem:s6], [sflag:s4] =	dma.local [hbm:s3], $0xF7A  }
0x26: {  	[smem:$0x3FA0] =	sst s1;
	(tag) =	ssettag s2;
	_ =	strace s9  }
0x27: {  	s1 =	sld [smem:$0x3FB0]  }
0x28: {  	s2 =	sld [smem:$0x3FB1]  }
0x29: {  	s4 =	sld [smem:$0x3FB3]  }
0x2a: {  	p0 =	seq.s32 s5, $0x0;
	s5 =	sld [smem:$0x3FB4]  }
0x2b: {  	s6 =	sld [smem:$0x3FB5]  }
0x2c: {  	s7 =	sld [smem:$0x3FB6]  }
0x2d: {  	s3 =	simm.s32 $0x108;
	s8 =	sld [smem:$0x3FB7]  }
0x2e: {  	s3 =	simm.s32 @!p0 $0x1082;
	s9 =	sld [smem:$0x3FB8]  }
0x2f: {  	lr =	sadd.s32 s0, s3;
	s0 =	sld [smem:$0x3FAF]  }
0x30: {  	s3 =	sld [smem:$0x3FB2]  }
0x31: {  	[smem:$0x3FBB] =	sst s10  }
0x32: {  	s10 =	sld [smem:$0x3FB9];
	_ =	sdelay $0x3  }
0x33: {  	p0 =	seq.s32 s10, $0x1;
	s10 =	sld [smem:$0x3FBB];
	_ =	sdelay $0x3  }
0x34: {  	[smem:$0x3FBB] =	sst s10  }
0x35: {  	s10 =	sld [smem:$0x3FBA];
	_ =	sdelay $0x3  }
0x36: {  	p1 =	seq.s32 s10, $0x1;
	s10 =	sld [smem:$0x3FBB];
	_ =	sdelay $0x3  }
0x37: {  	[smem:$0x3FBB] =	sst s10  }
0x38: {  	s10 =	sld [smem:$0x3FBC]  }
0x39: {  	_ = 	snop;
	(pc) =	sbr.ind lr, $3  }
0x3a: {  	_ = 	snop  }
0x3b: {  	_ = 	snop  }
0x3c: {  	p2 =	seq.s32 s10, $0x1;
	s10 =	sld [smem:$0x3FBB]  }
0x3d: {  	_ =	shalt  }
0x3e: {  	_ =	shalt  }
0x3f: {  	_ =	shalt  }
0x40: {  	_ =	shalt  }
0x41: {  	_ =	shalt  }
0x42: {  	_ =	shalt  }
0x43: {  	_ =	shalt  }
0x44: {  	_ =	shalt  }
0x45: {  	_ =	shalt  }
0x46: {  	_ =	shalt  }
0x47: {  	_ =	shalt  }
0x48: {  	_ =	shalt  }
0x49: {  	_ =	shalt  }
0x4a: {  	_ =	shalt  }
0x4b: {  	_ =	shalt  }
0x4c: {  	_ =	shalt  }
0x4d: {  	_ =	shalt  }
0x4e: {  	_ =	shalt  }
0x4f: {  	_ =	shalt  }
0x50: {  	_ =	shalt  }
0x51: {  	_ =	shalt  }
0x52: {  	_ =	shalt  }
0x53: {  	_ =	shalt  }
0x54: {  	_ =	shalt  }
0x55: {  	_ =	shalt  }
0x56: {  	_ =	shalt  }
0x57: {  	_ =	shalt  }
0x58: {  	_ =	shalt  }
0x59: {  	_ =	shalt  }
0x5a: {  	_ =	shalt  }
0x5b: {  	_ =	shalt  }
0x5c: {  	_ =	shalt  }
0x5d: {  	_ =	shalt  }
0x5e: {  	_ =	shalt  }
0x5f: {  	_ =	shalt  }
0x60: {  	_ =	shalt  }
0x61: {  	_ =	shalt  }
0x62: {  	_ =	shalt  }
0x63: {  	_ =	shalt  }
0x64: {  	_ =	shalt  }
0x65: {  	_ =	shalt  }
0x66: {  	_ =	shalt  }
0x67: {  	_ =	shalt  }
0x68: {  	_ =	shalt  }
0x69: {  	_ =	shalt  }
0x6a: {  	_ =	shalt  }
0x6b: {  	_ =	shalt  }
0x6c: {  	_ =	shalt  }
0x6d: {  	_ =	shalt  }
0x6e: {  	_ =	shalt  }
0x6f: {  	_ =	shalt  }
0x70: {  	_ =	shalt  }
0x71: {  	_ =	shalt  }
0x72: {  	_ =	shalt  }
0x73: {  	_ =	shalt  }
0x74: {  	_ =	shalt  }
0x75: {  	_ =	shalt  }
0x76: {  	_ =	shalt  }
0x77: {  	_ =	shalt  }
0x78: {  	_ =	shalt  }
0x79: {  	_ =	shalt  }
0x7a: {  	_ =	shalt  }
0x7b: {  	_ =	shalt  }
0x7c: {  	_ =	shalt  }
0x7d: {  	_ =	shalt  }
0x7e: {  	_ =	shalt  }
0x7f: {  	_ =	shalt  }
0x80: {  	_ =	shalt  }
0x81: {  	_ =	shalt  }
0x82: {  	_ =	shalt  }
0x83: {  	_ =	shalt  }
0x84: {  	_ =	shalt  }
0x85: {  	_ =	shalt  }
0x86: {  	_ =	shalt  }
0x87: {  	_ =	shalt  }
.Lfunc_end0:
.L_simem_size_0:
called_computation_lowered:
.L_overlay_start_0:
0x88: {  	s2 =	sld [smem:$0x3FD9]  }
0x89: {  	s3 =	sld [smem:$0x3FFE];
	_ =	sdelay $0x1  }
0x8a: {  	s1 =	srdreg.scid  }
0x8b: {  	s0 =	sand.u32 $0x1, s1  }
0x8c: {  	s18 =	sshll.u32 s0, $0xA;
	s2 =	sadd.s32 s3, s2  }
0x8d: {  	s2 =	sadd.s32 s2, s18  }
0x8e: {  	[smem:$0x3FC7] =	sst s2  }
0x8f: {  	_ = 	snop  }
0x90: {  	s2 =	sld [smem:$0x3FC9]  }
0x91: {  	s19 =	sld [smem:$0x3FD0];
	(tm) =	ssettm $0x1  }
0x92: {  	s4 =	sld [smem:$0x3FFB];
	_ =	sdelay $0x3  }
0x93: {  	_ =	strace s4  }
0x94: {  	s4 =	sld [smem:$0x3FFC];
	_ =	sdelay $0x3  }
0x95: {  	_ =	strace s4  }
0x96: {  	s4 =	sld [smem:$0x3FFD];
	_ =	sdelay $0x3  }
0x97: {  	_ =	strace s4  }
0x98: {  	_ =	strace $0x8FFFFFFF  }
0x99: {  	s20 =	sld [smem:$0x3FDB];
	_ =	sdelay $0x1  }
0x9a: {  	s5 =	simm.s32 $_scs_section_size  }
0x9b: {  	s6 =	simm.s32 $_size__tile_overlayer_lowered;
	s7 =	simm.s32 $_tile_overlayer_lowered  }
0x9c: {  	s23 =	simm.s32 $0x1BFF;
	s22 =	sshll.u32 s7, $0x1;
	s4 =	sadd.s32 s5, s20  }
0x9d: {  	s8 =	simm.s32 $0x0;
	s21 =	sshll.u32 s6, $0x1;
	s6 =	sadd.s32 s22, s4  }
0x9e: {  	[timem:s8], [sflag:s23] =	dma.local [hbm:s6], s21  }
0x9f: {  	_ =	swait.ge [sflag:s23], s21  }
0xa0: {  	s5 =	ssub.s32 $0x0, s21;
	[sflag:s23] =	ssyncset.done $0x0  }
0xa1: {  	[sflag:s23] =	ssyncadd.s32 s5;
	_ =	sdelay $0x1  }
0xa2: {  	s24 =	simm.s32 $0x1B8B  }
0xa3: {  	_ =	swait.ge [sflag:s24], $0x1  }
0xa4: {  	[sflag:s24] =	ssyncset.done $0x0  }
0xa5: {  	s25 =	simm.s32 $0x1B8E;
	[sflag:s24] =	ssyncadd.s32 $0xFFFFFFFF  }
0xa6: {  	s26 =	simm.s32 $execute0_lowered;
	[smem:$0x3FD2] =	sst s25  }
0xa7: {  	s5 =	sshll.u32 s26, $0x1;
	_ =	strace $0x80000046;
	[dreg:$0x1] =	wrdreg $0xFFFFFFFF  }
0xa8: {  	s28 =	simm.s32 $_size_execute0_lowered;
	s4 =	sadd.s32 s4, s5;
	[dreg:$0x0] =	wrdreg $0x0  }
0xa9: {  	s5 =	sshll.u32 s28, $0x1;
	[dreg:$0x2] =	wrdreg s4  }
0xaa: {  	[dreg:$0x3] =	wrdreg s5  }
0xab: {  	[dreg:$0x4] =	wrdreg $0xC0  }
0xac: {  	_ =	task [dreg:s8], $0x5FFFF  }
0xad: {  	[dreg:$0x1] =	wrdreg $0xFFFFFFFF  }
0xae: {  	[dreg:$0x0] =	wrdreg $0x60  }
0xaf: {  	[dreg:$0x2] =	wrdreg s2  }
0xb0: {  	[dreg:$0x3] =	wrdreg s19  }
0xb1: {  	[dreg:$0x4] =	wrdreg $0x0  }
0xb2: {  	[dreg:$0x5] =	wrdreg $0x9  }
0xb3: {  	_ =	task.clear_ibuf [dreg:s8], $0x6FFFF;
	_ =	strace $0x90000046  }
0xb4: {  	s29 =	simm.s32 $0x9;
	_ =	strace $0x80000048  }
0xb5: {  	_ =	swait.ge [sflag:s29], $0x1  }
0xb6: {  	[sflag:s29] =	ssyncadd.s32 $0xFFFFFFFF  }
0xb7: {  	_ =	strace $0x90000048  }
0xb8: {  	_ =	sfence  }
0xb9: {  	s30 =	sld [smem:$0x0];
	_ =	sdelay $0x2  }
0xba: {  	s31 =	sshll.u32 s1, $0xD;
	s1 =	sshrl.u32 s1, $0x2  }
0xbb: {  	s3 =	sand.u32 $0x4000, s31;
	s1 =	sadd.s32 s1, s30  }
0xbc: {  	s0 =	sor.u32 s3, s0;
	s1 =	sshll.u32 s1, $0x11  }
0xbd: {  	s0 =	sor.u32 s1, s0  }
0xbe: {  	s0 =	sadd.s32 $0x8F2B, s0  }
0xbf: {  	[sflag:s0] =	ssyncadd.remote.s32 $0x1  }
0xc0: {  	_ =	sfence.sel $0xFFFF  }
0xc1: {  	[dreg:$0x0] =	wrdreg $0xFFFFFFFF;
	(pc) =	sbr.abs _section_cstart, $3  }
0xc2: {  	[dreg:$0x1] =	wrdreg $0xFFFFFFFF  }
0xc3: {  	_ =	task.clear_ibuf [dreg:s8], $0x2FFFF;
	_ =	strace $0x9FFFFFFF  }
0xc4: {  	(tm) =	ssettm $0x7FFFFFFF  }
0xc5: {  	_ =	shalt  }
tec
execute0_lowered:
.L_overlay_start_1:
0x0: {  	(tag) =	ssettag $0x1  }
0x1: {  	s1 =	stileid.u32  }
0x2: {  	p0 =	sgt.u32 s1, $0x2  }
.Ltmp0:
0x3: {  	s0 =	rddreg [dreg:$0x0];
	(pc) =	sbr.rel @p0 .LBB2_7-.Ltmp0, $4  }
0x4: {  	s2 =	rddreg [dreg:$0x1]  }
0x5: {  	s4 =	rddreg [dreg:$0x2];
	s3 =	simm.s32 $0x0  }
0x6: {  	[smem:$0x7FF] =	sst s3  }
0x7: {  	s25 =	rddreg [dreg:$0x3];
	_ =	strace $0x80000047  }
0x8: {  	s3 =	srdreg.scid;
	s17 =	smul.u32 $0x21C000, s1  }
0x9: {  	s5 =	sshll.u32 s1, $0x1;
	s3 =	sand.u32 $0x1, s3  }
0xa: {  	s6 =	sor.u32 s3, s5;
	s5 =	sshrl.u32 s17, $0x2  }
0xb: {  	s15 =	sxor.u32 $0x23, s3;
	s14 =	smul.u32 $0x8700, s6;
	s13 =	sadd.s32 s5, s4  }
0xc: {  	s5 =	sadd.s32 $0x24, s6;
	s4 =	sadd.s32 $0x22, s6;
	s9 =	smul.u32 $0x43800, s6  }
0xd: {  	s11 =	sor.u32 $0x30, s6;
	p0 =	seq.s32 s5, $0x28;
	p1 =	seq.s32 s5, $0x27  }
0xe: {  	s10 =	smul.u32 $0x43800, s11;
	s7 =	sadd.s32 $0x32A00, s14;
	s21 =	sadd.s32 $0x65400, s14  }
0xf: {  	s20 =	sadd.s32 s2, s14;
	s24 =	sadd.s32 $0x97E00, s14;
	s29 =	sadd.s32 $0xCA800, s14  }
0x10: {  	s4 =	simm.s32 @p0 $0x42;
	p0 =	slt.u32 s5, $0x27;
	s18 =	sadd.s32 s0, s7  }
0x11: {  	s31 =	sadd.s32 $0xFD200, s14;
	s19 =	sadd.s32 s2, s7;
	[dreg:$0x4] =	wrdreg s18  }
0x12: {  	s12 =	sadd.s32 $0xA8C000, s9;
	s22 =	sadd.s32 s0, s21;
	[dreg:$0x5] =	wrdreg s19  }
0x13: {  	s23 =	sadd.s32 s2, s21;
	s21 =	sadd.s32 $0x43800, s13;
	[dreg:$0x6] =	wrdreg s22  }
0x14: {  	s26 =	sadd.s32 s0, s24;
	s28 =	sadd.s32 s2, s24;
	[dreg:$0x7] =	wrdreg s23  }
0x15: {  	s8 =	sadd.s32 s0, s29;
	s4 =	simm.s32 @p1 $0x41;
	[dreg:$0x8] =	wrdreg s26  }
0x16: {  	s7 =	sadd.s32 s2, s29;
	s16 =	sshrl.u32 s12, $0x3;
	[dreg:$0x9] =	wrdreg s28  }
0x17: {  	s17 =	sadd.s32 $0xFFF79000, s10;
	s24 =	sadd.s32 $0xF07800, s9;
	[dreg:$0xa] =	wrdreg s8  }
0x18: {  	s4 =	smov.u32 @p0 s5;
	s8 =	sadd.s32 s0, s31;
	s5 =	sadd.s32 s2, s31  }
0x19: {  	s10 =	sadd.s32 s0, s16;
	s18 =	sshrl.u32 s17, $0x3;
	s16 =	sadd.s32 $0x21, s1  }
0x1a: {  	s19 =	smul.u32 $0x8700, s11;
	s22 =	sadd.s32 $0xD72800, s9;
	p0 =	seq.s32 s6, $0x0  }
0x1b: {  	s26 =	sshrl.u32 s24, $0x3;
	s4 =	smul.u32 $0x8700, s4;
	[dreg:$0xd] =	wrdreg s5  }
0x1c: {  	s5 =	sadd.s32 s0, s18;
	s23 =	sshll.u32 s16, $0x1;
	s6 =	sshrl.u32 s22, $0x3  }
0x1d: {  	s17 =	sor.u32 s3, s23;
	s6 =	simm.s32 @p0 $0x235500;
	s11 =	sadd.s32 s2, s19  }
0x1e: {  	p0 =	seq.s32 s1, $0x0;
	s19 =	ssub.s32 $0x2, s3;
	s18 =	smul.u32 $0x43800, s17  }
0x1f: {  	s23 =	sadd.s32 s0, s14;
	s4 =	sadd.s32 s0, s4;
	s17 =	smul.u32 $0x8700, s17  }
0x20: {  	s9 =	sadd.s32 s0, s6;
	s29 =	sshrl.u32 s19, $0x1;
	s28 =	sadd.s32 $0xFFF35800, s18  }
0x21: {  	s2 =	sadd.s32 s2, s17;
	s17 =	ssub.s32 s19, s29;
	s18 =	sshrl.u32 s28, $0x3  }
0x22: {  	[dreg:$0xe] =	wrdreg s4;
	s31 =	smax.u32 s17, $0x1;
	s18 =	simm.s32 @!p0 $0x23DC00  }
0x23: {  	s4 =	sadd.s32 s0, s26;
	s3 =	sadd.s32 s0, s18;
	s0 =	sadd.s32 $0xFFFFFFFF, s31  }
0x24: {  	s12 =	sadd.s32 $0x12FC00, s20;
	p1 =	por $0x0, $0x0;
	p2 =	sne.s32 s0, $0x0  }
.Ltmp1:
0x25: {  	[dreg:$0xb] =	wrdreg s7;
	s7 =	sadd.s32 $0x1C7A00, s20;
	(pc) =	sbr.rel @!p2 .LBB2_6-.Ltmp1, $4  }
0x26: {  	[dreg:$0xc] =	wrdreg s8;
	s8 =	sadd.s32 $0x162600, s20;
	s22 =	sshll.u32 s1, $0x6  }
0x27: {  	s14 =	sor.u32 $0x1C01, s22;
	s6 =	sadd.s32 $0x1FA400, s20;
	s19 =	simm.s32 $0x2  }
0x28: {  	s17 =	sshrl.u32 s13, $0x3;
	p0 =	sge.u32 s16, s15;
	s15 =	simm.s32 $0x1  }
0x29: {  	s16 =	simm.s32 $0x4;
	s18 =	simm.s32 $0x3;
	s13 =	sshrl.u32 @!p0 s21, $0x3  }
0x2a: {  	[spmem:s17], [sflag:s14] =	dma.local [hbm:s23], $0x8700  }
0x2b: {  	_ =	swait.ge [sflag:s15], $0x8700  }
0x2c: {  	[sflag:s15] =	ssyncset.done $0x0  }
0x2d: {  	s24 =	sor.u32 $0x1C03, s22;
	[sflag:s15] =	ssyncadd.s32 $0xFFFF7900  }
0x2e: {  	[hbm:s20], [sflag:s24] =	dma.local [spmem:s17], $0x8700  }
0x2f: {  	[dreg:$0xf] =	wrdreg s21  }
0x30: {  	s25 =	sor.u32 $0x1C02, s22;
	s26 =	sshrl.u32 s21, $0x3;
	s28 =	rddreg [dreg:$0x4]  }
0x31: {  	[spmem:s26], [sflag:s25] =	dma.local [hbm:s28], $0x8700  }
0x32: {  	_ =	swait.ge [sflag:s19], $0x8700  }
0x33: {  	[sflag:s19] =	ssyncset.done $0x0  }
0x34: {  	s28 =	sor.u32 $0x1C04, s22;
	s29 =	rddreg [dreg:$0x5];
	[sflag:s19] =	ssyncadd.s32 $0xFFFF7900  }
0x35: {  	[hbm:s29], [sflag:s28] =	dma.local [spmem:s26], $0x8700  }
0x36: {  	_ =	swait.ge [sflag:s18], $0x8700  }
0x37: {  	[sflag:s18] =	ssyncset.done $0x0  }
0x38: {  	s29 =	rddreg [dreg:$0x6];
	[sflag:s18] =	ssyncadd.s32 $0xFFFF7900  }
0x39: {  	[spmem:s17], [sflag:s14] =	dma.local [hbm:s29], $0x8700  }
0x3a: {  	_ =	swait.ge [sflag:s15], $0x8700  }
0x3b: {  	[sflag:s15] =	ssyncset.done $0x0  }
0x3c: {  	s29 =	rddreg [dreg:$0x7];
	[sflag:s15] =	ssyncadd.s32 $0xFFFF7900  }
0x3d: {  	[hbm:s29], [sflag:s24] =	dma.local [spmem:s17], $0x8700  }
0x3e: {  	_ =	swait.ge [sflag:s16], $0x8700  }
0x3f: {  	[sflag:s16] =	ssyncset.done $0x0  }
0x40: {  	s29 =	rddreg [dreg:$0x8];
	[sflag:s16] =	ssyncadd.s32 $0xFFFF7900  }
0x41: {  	[spmem:s26], [sflag:s25] =	dma.local [hbm:s29], $0x8700  }
0x42: {  	_ =	swait.ge [sflag:s19], $0x8700  }
0x43: {  	[sflag:s19] =	ssyncset.done $0x0  }
0x44: {  	s29 =	rddreg [dreg:$0x9];
	[sflag:s19] =	ssyncadd.s32 $0xFFFF7900  }
0x45: {  	[hbm:s29], [sflag:s28] =	dma.local [spmem:s26], $0x8700  }
0x46: {  	_ =	swait.ge [sflag:s18], $0x8700  }
0x47: {  	[sflag:s18] =	ssyncset.done $0x0  }
0x48: {  	s29 =	rddreg [dreg:$0xa];
	[sflag:s18] =	ssyncadd.s32 $0xFFFF7900  }
0x49: {  	[spmem:s17], [sflag:s14] =	dma.local [hbm:s29], $0x8700  }
0x4a: {  	_ =	swait.ge [sflag:s15], $0x8700  }
0x4b: {  	[sflag:s15] =	ssyncset.done $0x0  }
0x4c: {  	s29 =	rddreg [dreg:$0xb];
	[sflag:s15] =	ssyncadd.s32 $0xFFFF7900  }
0x4d: {  	[hbm:s29], [sflag:s24] =	dma.local [spmem:s17], $0x8700  }
0x4e: {  	_ =	swait.ge [sflag:s16], $0x8700  }
0x4f: {  	[sflag:s16] =	ssyncset.done $0x0  }
0x50: {  	s29 =	rddreg [dreg:$0xc];
	[sflag:s16] =	ssyncadd.s32 $0xFFFF7900  }
0x51: {  	[spmem:s26], [sflag:s25] =	dma.local [hbm:s29], $0x8700  }
0x52: {  	_ =	swait.ge [sflag:s19], $0x8700  }
0x53: {  	[sflag:s19] =	ssyncset.done $0x0  }
0x54: {  	s29 =	rddreg [dreg:$0xd];
	[sflag:s19] =	ssyncadd.s32 $0xFFFF7900  }
0x55: {  	[hbm:s29], [sflag:s28] =	dma.local [spmem:s26], $0x8700  }
0x56: {  	_ =	swait.ge [sflag:s18], $0x8700  }
0x57: {  	[sflag:s18] =	ssyncset.done $0x0  }
0x58: {  	s29 =	rddreg [dreg:$0xe];
	[sflag:s18] =	ssyncadd.s32 $0xFFFF7900  }
0x59: {  	[spmem:s17], [sflag:s14] =	dma.local [hbm:s29], $0x8700  }
0x5a: {  	_ =	swait.ge [sflag:s15], $0x8700  }
0x5b: {  	[sflag:s15] =	ssyncset.done $0x0  }
0x5c: {  	[sflag:s15] =	ssyncadd.s32 $0xFFFF7900  }
0x5d: {  	[hbm:s12], [sflag:s24] =	dma.local [spmem:s17], $0x8700  }
0x5e: {  	_ =	swait.ge [sflag:s16], $0x8700  }
0x5f: {  	[sflag:s16] =	ssyncset.done $0x0  }
0x60: {  	[sflag:s16] =	ssyncadd.s32 $0xFFFF7900  }
0x61: {  	[spmem:s26], [sflag:s25] =	dma.local [hbm:s10], $0x8700  }
0x62: {  	_ =	swait.ge [sflag:s19], $0x8700  }
0x63: {  	[sflag:s19] =	ssyncset.done $0x0  }
0x64: {  	[sflag:s19] =	ssyncadd.s32 $0xFFFF7900  }
0x65: {  	[hbm:s8], [sflag:s28] =	dma.local [spmem:s26], $0x8700  }
0x66: {  	_ =	swait.ge [sflag:s18], $0x8700  }
0x67: {  	[sflag:s18] =	ssyncset.done $0x0  }
0x68: {  	[sflag:s18] =	ssyncadd.s32 $0xFFFF7900  }
0x69: {  	[spmem:s17], [sflag:s14] =	dma.local [hbm:s5], $0x8700  }
0x6a: {  	_ =	swait.ge [sflag:s15], $0x8700  }
0x6b: {  	[sflag:s15] =	ssyncset.done $0x0  }
0x6c: {  	[sflag:s15] =	ssyncadd.s32 $0xFFFF7900  }
0x6d: {  	[hbm:s11], [sflag:s24] =	dma.local [spmem:s17], $0x8700  }
0x6e: {  	_ =	swait.ge [sflag:s16], $0x8700  }
0x6f: {  	[sflag:s16] =	ssyncset.done $0x0  }
0x70: {  	[sflag:s16] =	ssyncadd.s32 $0xFFFF7900  }
0x71: {  	[spmem:s26], [sflag:s25] =	dma.local [hbm:s9], $0x8700  }
0x72: {  	_ =	swait.ge [sflag:s19], $0x8700  }
0x73: {  	[sflag:s19] =	ssyncset.done $0x0  }
0x74: {  	[sflag:s19] =	ssyncadd.s32 $0xFFFF7900  }
0x75: {  	[hbm:s7], [sflag:s28] =	dma.local [spmem:s26], $0x8700  }
0x76: {  	_ =	swait.ge [sflag:s18], $0x8700  }
0x77: {  	[sflag:s18] =	ssyncset.done $0x0  }
0x78: {  	[sflag:s18] =	ssyncadd.s32 $0xFFFF7900  }
0x79: {  	[spmem:s17], [sflag:s14] =	dma.local [hbm:s4], $0x8700  }
0x7a: {  	_ =	swait.ge [sflag:s15], $0x8700  }
0x7b: {  	[sflag:s15] =	ssyncset.done $0x0  }
0x7c: {  	[sflag:s15] =	ssyncadd.s32 $0xFFFF7900  }
0x7d: {  	[hbm:s6], [sflag:s24] =	dma.local [spmem:s17], $0x8700  }
0x7e: {  	_ =	swait.ge [sflag:s16], $0x8700  }
0x7f: {  	[sflag:s16] =	ssyncset.done $0x0  }
0x80: {  	s29 =	simm.s32 @!p0 $0x2;
	[sflag:s16] =	ssyncadd.s32 $0xFFFF7900  }
0x81: {  	[spmem:s13], [sflag:s25] =	dma.local @!p0 [hbm:s3], $0x8700  }
0x82: {  	_ =	swait.ge @!p0 [sflag:s29], $0x8700  }
0x83: {  	s0 =	sadd.s32 $0xFFFFFFFF, s0;
	[sflag:s29] =	ssyncset.done @!p0 $0x0  }
0x84: {  	s31 =	simm.s32 @!p0 $0x3;
	p2 =	sne.s32 s0, $0x0;
	[sflag:s29] =	ssyncadd.s32 @!p0 $0xFFFF7900  }
0x85: {  	[hbm:s2], [sflag:s28] =	dma.local @!p0 [spmem:s13], $0x8700  }
.Ltmp2:
0x86: {  	_ =	swait.ge @!p0 [sflag:s31], $0x8700;
	(pc) =	sbr.rel @!p2 .LBB2_3-.Ltmp2, $4  }
0x87: {  	s30 =	simm.s32 @!p0 $0x4;
	[sflag:s31] =	ssyncset.done @!p0 $0x0  }
0x88: {  	s30 =	simm.s32 @p0 $0x3;
	[sflag:s31] =	ssyncadd.s32 @!p0 $0xFFFF7900  }
0x89: {  	_ =	swait.ge [sflag:s30], $0x8700  }
0x8a: {  	p1 =	por $0x1, $0x1;
	[sflag:s30] =	ssyncset.done $0x0  }
.LBB2_4:
0x8b: {  	[sflag:s30] =	ssyncadd.s32 $0xFFFF7900  }
0x8c: {  	[spmem:s17], [sflag:s14] =	dma.local [hbm:s23], $0x8700  }
0x8d: {  	_ =	swait.ge [sflag:s15], $0x8700  }
0x8e: {  	[sflag:s15] =	ssyncset.done $0x0  }
0x8f: {  	[sflag:s15] =	ssyncadd.s32 $0xFFFF7900  }
0x90: {  	[hbm:s20], [sflag:s24] =	dma.local [spmem:s17], $0x8700  }
0x91: {  	s21 =	rddreg [dreg:$0x4]  }
0x92: {  	[spmem:s26], [sflag:s25] =	dma.local [hbm:s21], $0x8700  }
0x93: {  	_ =	swait.ge [sflag:s19], $0x8700  }
0x94: {  	[sflag:s19] =	ssyncset.done $0x0  }
0x95: {  	s21 =	rddreg [dreg:$0x5];
	[sflag:s19] =	ssyncadd.s32 $0xFFFF7900  }
0x96: {  	[hbm:s21], [sflag:s28] =	dma.local [spmem:s26], $0x8700  }
0x97: {  	_ =	swait.ge [sflag:s18], $0x8700  }
0x98: {  	[sflag:s18] =	ssyncset.done $0x0  }
0x99: {  	s21 =	rddreg [dreg:$0x6];
	[sflag:s18] =	ssyncadd.s32 $0xFFFF7900  }
0x9a: {  	[spmem:s17], [sflag:s14] =	dma.local [hbm:s21], $0x8700  }
0x9b: {  	_ =	swait.ge [sflag:s15], $0x8700  }
0x9c: {  	[sflag:s15] =	ssyncset.done $0x0  }
0x9d: {  	s21 =	rddreg [dreg:$0x7];
	[sflag:s15] =	ssyncadd.s32 $0xFFFF7900  }
0x9e: {  	[hbm:s21], [sflag:s24] =	dma.local [spmem:s17], $0x8700  }
0x9f: {  	_ =	swait.ge [sflag:s16], $0x8700  }
0xa0: {  	[sflag:s16] =	ssyncset.done $0x0  }
0xa1: {  	s21 =	rddreg [dreg:$0x8];
	[sflag:s16] =	ssyncadd.s32 $0xFFFF7900  }
0xa2: {  	[spmem:s26], [sflag:s25] =	dma.local [hbm:s21], $0x8700  }
0xa3: {  	_ =	swait.ge [sflag:s19], $0x8700  }
0xa4: {  	[sflag:s19] =	ssyncset.done $0x0  }
0xa5: {  	s21 =	rddreg [dreg:$0x9];
	[sflag:s19] =	ssyncadd.s32 $0xFFFF7900  }
0xa6: {  	[hbm:s21], [sflag:s28] =	dma.local [spmem:s26], $0x8700  }
0xa7: {  	_ =	swait.ge [sflag:s18], $0x8700  }
0xa8: {  	[sflag:s18] =	ssyncset.done $0x0  }
0xa9: {  	s21 =	rddreg [dreg:$0xa];
	[sflag:s18] =	ssyncadd.s32 $0xFFFF7900  }
0xaa: {  	[spmem:s17], [sflag:s14] =	dma.local [hbm:s21], $0x8700  }
0xab: {  	_ =	swait.ge [sflag:s15], $0x8700  }
0xac: {  	[sflag:s15] =	ssyncset.done $0x0  }
0xad: {  	s21 =	rddreg [dreg:$0xb];
	[sflag:s15] =	ssyncadd.s32 $0xFFFF7900  }
0xae: {  	[hbm:s21], [sflag:s24] =	dma.local [spmem:s17], $0x8700  }
0xaf: {  	_ =	swait.ge [sflag:s16], $0x8700  }
0xb0: {  	[sflag:s16] =	ssyncset.done $0x0  }
0xb1: {  	s21 =	rddreg [dreg:$0xc];
	[sflag:s16] =	ssyncadd.s32 $0xFFFF7900  }
0xb2: {  	[spmem:s26], [sflag:s25] =	dma.local [hbm:s21], $0x8700  }
0xb3: {  	_ =	swait.ge [sflag:s19], $0x8700  }
0xb4: {  	[sflag:s19] =	ssyncset.done $0x0  }
0xb5: {  	s21 =	rddreg [dreg:$0xd];
	[sflag:s19] =	ssyncadd.s32 $0xFFFF7900  }
0xb6: {  	[hbm:s21], [sflag:s28] =	dma.local [spmem:s26], $0x8700  }
0xb7: {  	_ =	swait.ge [sflag:s18], $0x8700  }
0xb8: {  	[sflag:s18] =	ssyncset.done $0x0  }
0xb9: {  	s21 =	rddreg [dreg:$0xe];
	[sflag:s18] =	ssyncadd.s32 $0xFFFF7900  }
0xba: {  	[spmem:s17], [sflag:s14] =	dma.local [hbm:s21], $0x8700  }
0xbb: {  	_ =	swait.ge [sflag:s15], $0x8700  }
0xbc: {  	[sflag:s15] =	ssyncset.done $0x0  }
0xbd: {  	[sflag:s15] =	ssyncadd.s32 $0xFFFF7900  }
0xbe: {  	[hbm:s12], [sflag:s24] =	dma.local [spmem:s17], $0x8700  }
0xbf: {  	_ =	swait.ge [sflag:s16], $0x8700  }
0xc0: {  	[sflag:s16] =	ssyncset.done $0x0  }
0xc1: {  	[sflag:s16] =	ssyncadd.s32 $0xFFFF7900  }
0xc2: {  	[spmem:s26], [sflag:s25] =	dma.local [hbm:s10], $0x8700  }
0xc3: {  	_ =	swait.ge [sflag:s19], $0x8700  }
0xc4: {  	[sflag:s19] =	ssyncset.done $0x0  }
0xc5: {  	[sflag:s19] =	ssyncadd.s32 $0xFFFF7900  }
0xc6: {  	[hbm:s8], [sflag:s28] =	dma.local [spmem:s26], $0x8700  }
0xc7: {  	_ =	swait.ge [sflag:s18], $0x8700  }
0xc8: {  	[sflag:s18] =	ssyncset.done $0x0  }
0xc9: {  	[sflag:s18] =	ssyncadd.s32 $0xFFFF7900  }
0xca: {  	[spmem:s17], [sflag:s14] =	dma.local [hbm:s5], $0x8700  }
0xcb: {  	_ =	swait.ge [sflag:s15], $0x8700  }
0xcc: {  	[sflag:s15] =	ssyncset.done $0x0  }
0xcd: {  	[sflag:s15] =	ssyncadd.s32 $0xFFFF7900  }
0xce: {  	[hbm:s11], [sflag:s24] =	dma.local [spmem:s17], $0x8700  }
0xcf: {  	_ =	swait.ge [sflag:s16], $0x8700  }
0xd0: {  	[sflag:s16] =	ssyncset.done $0x0  }
0xd1: {  	[sflag:s16] =	ssyncadd.s32 $0xFFFF7900  }
0xd2: {  	[spmem:s26], [sflag:s25] =	dma.local [hbm:s9], $0x8700  }
0xd3: {  	_ =	swait.ge [sflag:s19], $0x8700  }
0xd4: {  	[sflag:s19] =	ssyncset.done $0x0  }
0xd5: {  	[sflag:s19] =	ssyncadd.s32 $0xFFFF7900  }
0xd6: {  	[hbm:s7], [sflag:s28] =	dma.local [spmem:s26], $0x8700  }
0xd7: {  	_ =	swait.ge [sflag:s18], $0x8700  }
0xd8: {  	[sflag:s18] =	ssyncset.done $0x0  }
0xd9: {  	[sflag:s18] =	ssyncadd.s32 $0xFFFF7900  }
0xda: {  	[spmem:s17], [sflag:s14] =	dma.local [hbm:s4], $0x8700  }
0xdb: {  	_ =	swait.ge [sflag:s15], $0x8700  }
0xdc: {  	[sflag:s15] =	ssyncset.done $0x0  }
0xdd: {  	[sflag:s15] =	ssyncadd.s32 $0xFFFF7900  }
0xde: {  	[hbm:s6], [sflag:s24] =	dma.local [spmem:s17], $0x8700  }
0xdf: {  	_ =	swait.ge [sflag:s16], $0x8700  }
0xe0: {  	[sflag:s16] =	ssyncset.done $0x0  }
0xe1: {  	[sflag:s16] =	ssyncadd.s32 $0xFFFF7900  }
0xe2: {  	[spmem:s13], [sflag:s25] =	dma.local @!p0 [hbm:s3], $0x8700  }
0xe3: {  	_ =	swait.ge @!p0 [sflag:s29], $0x8700  }
0xe4: {  	s0 =	sadd.s32 $0xFFFFFFFF, s0;
	[sflag:s29] =	ssyncset.done @!p0 $0x0  }
0xe5: {  	p2 =	sne.s32 s0, $0x0;
	[sflag:s29] =	ssyncadd.s32 @!p0 $0xFFFF7900  }
0xe6: {  	[hbm:s2], [sflag:s28] =	dma.local @!p0 [spmem:s13], $0x8700  }
.Ltmp3:
0xe7: {  	_ =	swait.ge @!p0 [sflag:s31], $0x8700;
	(pc) =	sbr.rel @p2 .LBB2_4-.Ltmp3, $4  }
0xe8: {  	[sflag:s31] =	ssyncset.done @!p0 $0x0  }
0xe9: {  	[sflag:s31] =	ssyncadd.s32 @!p0 $0xFFFF7900  }
0xea: {  	_ =	swait.ge [sflag:s30], $0x8700  }
0xeb: {  	[sflag:s30] =	ssyncset.done $0x0  }
0xec: {  	s25 =	rddreg [dreg:$0x3]  }
0xed: {  	s21 =	rddreg [dreg:$0xf]  }
.LBB2_6:
0xee: {  	[sflag:s30] =	ssyncadd.s32 @p1 $0xFFFF7900  }
0xef: {  	[spmem:s17], [sflag:s14] =	dma.local [hbm:s23], $0x8700  }
0xf0: {  	_ =	swait.ge [sflag:s15], $0x8700  }
0xf1: {  	[sflag:s15] =	ssyncset.done $0x0  }
0xf2: {  	s23 =	sor.u32 $0x1C03, s22;
	[sflag:s15] =	ssyncadd.s32 $0xFFFF7900  }
0xf3: {  	[hbm:s20], [sflag:s23] =	dma.local [spmem:s17], $0x8700  }
0xf4: {  	s0 =	sor.u32 $0x1C02, s22;
	s21 =	sshrl.u32 s21, $0x3;
	s20 =	rddreg [dreg:$0x4]  }
0xf5: {  	[spmem:s21], [sflag:s0] =	dma.local [hbm:s20], $0x8700  }
0xf6: {  	_ =	swait.ge [sflag:s19], $0x8700  }
0xf7: {  	[sflag:s19] =	ssyncset.done $0x0  }
0xf8: {  	s20 =	sor.u32 $0x1C04, s22;
	s24 =	rddreg [dreg:$0x5];
	[sflag:s19] =	ssyncadd.s32 $0xFFFF7900  }
0xf9: {  	[hbm:s24], [sflag:s20] =	dma.local [spmem:s21], $0x8700  }
0xfa: {  	_ =	swait.ge [sflag:s18], $0x8700  }
0xfb: {  	[sflag:s18] =	ssyncset.done $0x0  }
0xfc: {  	s29 =	rddreg [dreg:$0x6];
	[sflag:s18] =	ssyncadd.s32 $0xFFFF7900  }
0xfd: {  	[spmem:s17], [sflag:s14] =	dma.local [hbm:s29], $0x8700  }
0xfe: {  	_ =	swait.ge [sflag:s15], $0x8700  }
0xff: {  	[sflag:s15] =	ssyncset.done $0x0  }
0x100: {  	s30 =	rddreg [dreg:$0x7];
	[sflag:s15] =	ssyncadd.s32 $0xFFFF7900  }
0x101: {  	[hbm:s30], [sflag:s23] =	dma.local [spmem:s17], $0x8700  }
0x102: {  	_ =	swait.ge [sflag:s16], $0x8700  }
0x103: {  	[sflag:s16] =	ssyncset.done $0x0  }
0x104: {  	s31 =	rddreg [dreg:$0x8];
	[sflag:s16] =	ssyncadd.s32 $0xFFFF7900  }
0x105: {  	[spmem:s21], [sflag:s0] =	dma.local [hbm:s31], $0x8700  }
0x106: {  	_ =	swait.ge [sflag:s19], $0x8700  }
0x107: {  	[sflag:s19] =	ssyncset.done $0x0  }
0x108: {  	s24 =	rddreg [dreg:$0x9];
	[sflag:s19] =	ssyncadd.s32 $0xFFFF7900  }
0x109: {  	[hbm:s24], [sflag:s20] =	dma.local [spmem:s21], $0x8700  }
0x10a: {  	_ =	swait.ge [sflag:s18], $0x8700  }
0x10b: {  	[sflag:s18] =	ssyncset.done $0x0  }
0x10c: {  	s26 =	rddreg [dreg:$0xa];
	[sflag:s18] =	ssyncadd.s32 $0xFFFF7900  }
0x10d: {  	[spmem:s17], [sflag:s14] =	dma.local [hbm:s26], $0x8700  }
0x10e: {  	_ =	swait.ge [sflag:s15], $0x8700  }
0x10f: {  	[sflag:s15] =	ssyncset.done $0x0  }
0x110: {  	s28 =	rddreg [dreg:$0xb];
	[sflag:s15] =	ssyncadd.s32 $0xFFFF7900  }
0x111: {  	[hbm:s28], [sflag:s23] =	dma.local [spmem:s17], $0x8700  }
0x112: {  	_ =	swait.ge [sflag:s16], $0x8700  }
0x113: {  	[sflag:s16] =	ssyncset.done $0x0  }
0x114: {  	s29 =	rddreg [dreg:$0xc];
	[sflag:s16] =	ssyncadd.s32 $0xFFFF7900  }
0x115: {  	[spmem:s21], [sflag:s0] =	dma.local [hbm:s29], $0x8700  }
0x116: {  	_ =	swait.ge [sflag:s19], $0x8700  }
0x117: {  	[sflag:s19] =	ssyncset.done $0x0  }
0x118: {  	s30 =	rddreg [dreg:$0xd];
	[sflag:s19] =	ssyncadd.s32 $0xFFFF7900  }
0x119: {  	[hbm:s30], [sflag:s20] =	dma.local [spmem:s21], $0x8700  }
0x11a: {  	_ =	swait.ge [sflag:s18], $0x8700  }
0x11b: {  	[sflag:s18] =	ssyncset.done $0x0  }
0x11c: {  	s31 =	rddreg [dreg:$0xe];
	[sflag:s18] =	ssyncadd.s32 $0xFFFF7900  }
0x11d: {  	[spmem:s17], [sflag:s14] =	dma.local [hbm:s31], $0x8700  }
0x11e: {  	_ =	swait.ge [sflag:s15], $0x8700  }
0x11f: {  	[sflag:s15] =	ssyncset.done $0x0  }
0x120: {  	[sflag:s15] =	ssyncadd.s32 $0xFFFF7900  }
0x121: {  	[hbm:s12], [sflag:s23] =	dma.local [spmem:s17], $0x8700  }
0x122: {  	_ =	swait.ge [sflag:s16], $0x8700  }
0x123: {  	[sflag:s16] =	ssyncset.done $0x0  }
0x124: {  	[sflag:s16] =	ssyncadd.s32 $0xFFFF7900  }
0x125: {  	[spmem:s21], [sflag:s0] =	dma.local [hbm:s10], $0x8700  }
0x126: {  	_ =	swait.ge [sflag:s19], $0x8700  }
0x127: {  	[sflag:s19] =	ssyncset.done $0x0  }
0x128: {  	[sflag:s19] =	ssyncadd.s32 $0xFFFF7900  }
0x129: {  	[hbm:s8], [sflag:s20] =	dma.local [spmem:s21], $0x8700  }
0x12a: {  	_ =	swait.ge [sflag:s18], $0x8700  }
0x12b: {  	[sflag:s18] =	ssyncset.done $0x0  }
0x12c: {  	[sflag:s18] =	ssyncadd.s32 $0xFFFF7900  }
0x12d: {  	[spmem:s17], [sflag:s14] =	dma.local [hbm:s5], $0x8700  }
0x12e: {  	_ =	swait.ge [sflag:s15], $0x8700  }
0x12f: {  	[sflag:s15] =	ssyncset.done $0x0  }
0x130: {  	[sflag:s15] =	ssyncadd.s32 $0xFFFF7900  }
0x131: {  	[hbm:s11], [sflag:s23] =	dma.local [spmem:s17], $0x8700  }
0x132: {  	_ =	swait.ge [sflag:s16], $0x8700  }
0x133: {  	[sflag:s16] =	ssyncset.done $0x0  }
0x134: {  	[sflag:s16] =	ssyncadd.s32 $0xFFFF7900  }
0x135: {  	[spmem:s21], [sflag:s0] =	dma.local [hbm:s9], $0x8700  }
0x136: {  	_ =	swait.ge [sflag:s19], $0x8700  }
0x137: {  	[sflag:s19] =	ssyncset.done $0x0  }
0x138: {  	[sflag:s19] =	ssyncadd.s32 $0xFFFF7900  }
0x139: {  	[hbm:s7], [sflag:s20] =	dma.local [spmem:s21], $0x8700  }
0x13a: {  	_ =	swait.ge [sflag:s18], $0x8700  }
0x13b: {  	[sflag:s18] =	ssyncset.done $0x0  }
0x13c: {  	[sflag:s18] =	ssyncadd.s32 $0xFFFF7900  }
0x13d: {  	[spmem:s17], [sflag:s14] =	dma.local [hbm:s4], $0x8700  }
0x13e: {  	_ =	swait.ge [sflag:s15], $0x8700  }
0x13f: {  	[sflag:s15] =	ssyncset.done $0x0  }
0x140: {  	[sflag:s15] =	ssyncadd.s32 $0xFFFF7900  }
0x141: {  	[hbm:s6], [sflag:s23] =	dma.local [spmem:s17], $0x8700  }
0x142: {  	_ =	swait.ge [sflag:s16], $0x8700  }
0x143: {  	[sflag:s16] =	ssyncset.done $0x0  }
0x144: {  	s4 =	simm.s32 @!p0 $0x2;
	[sflag:s16] =	ssyncadd.s32 $0xFFFF7900  }
0x145: {  	[spmem:s13], [sflag:s0] =	dma.local @!p0 [hbm:s3], $0x8700  }
0x146: {  	_ =	swait.ge @!p0 [sflag:s4], $0x8700  }
0x147: {  	[sflag:s4] =	ssyncset.done @!p0 $0x0  }
0x148: {  	s0 =	simm.s32 @!p0 $0x3;
	[sflag:s4] =	ssyncadd.s32 @!p0 $0xFFFF7900  }
0x149: {  	[hbm:s2], [sflag:s20] =	dma.local @!p0 [spmem:s13], $0x8700  }
0x14a: {  	_ =	swait.ge @!p0 [sflag:s0], $0x8700  }
0x14b: {  	s2 =	simm.s32 @!p0 $0x4;
	[sflag:s0] =	ssyncset.done @!p0 $0x0  }
0x14c: {  	s2 =	simm.s32 @p0 $0x3;
	[sflag:s0] =	ssyncadd.s32 @!p0 $0xFFFF7900  }
0x14d: {  	_ =	swait.ge [sflag:s2], $0x8700  }
0x14e: {  	[sflag:s2] =	ssyncset.done $0x0  }
0x14f: {  	[sflag:s2] =	ssyncadd.s32 $0xFFFF7900  }
.LBB2_7:
0x150: {  	_ =	sfence.sel $0x180000  }
0x151: {  	[bflag:$0x0] =	sbarrier.arrive $0xFFFF  }
0x152: {  	p0 =	sne.s32 s1, $0x0;
	_ =	strace $0x90000047  }
0x153: {  	s0 =	sadd.s32 @!p0 $0x100000, s25;
	[bflag:$0x2] =	sbarrier.arrive $0xFFFF  }
0x154: {  	[sflag:s0] =	ssyncadd.tile.s32 @!p0 $0x1;
	_ =	shalt  }
.LBB2_3:
.Ltmp4:
0x155: {  	(pc) =	sbr.rel .LBB2_6-.Ltmp4, $3  }
0x156: {  	_ =	sdelay $0x1  }
0x157: {  	s25 =	rddreg [dreg:$0x3]  }
0x158: {  	s21 =	rddreg [dreg:$0xf]  }
.Lfunc_end2:
_tile_overlayer_lowered:
.L_overlay_start_2:
0x159: {  	(tag) =	ssettag $0x2  }
0x15a: {  	s0 =	rddreg [dreg:$0x0];
	s2 =	stileid.u32  }
0x15b: {  	s1 =	rddreg [dreg:$0x1];
	p0 =	sne.s32 s2, $0x0  }
0x15c: {  	s3 =	rddreg [dreg:$0x2];
	[bflag:$0x3] =	sbarrier.arrive $0xFFFF;
	s2 =	simm.s32 @!p0 $0x1C05  }
0x15d: {  	[timem:s3], [sflag:s2] =	dma.local @!p0 [hbm:s0], s1  }
0x15e: {  	s0 =	simm.s32 @!p0 $0x5  }
0x15f: {  	_ =	swait.ge @!p0 [sflag:s0], s1  }
0x160: {  	s1 =	ssub.s32 @!p0 $0x0, s1;
	[sflag:s0] =	ssyncset.done @!p0 $0x0  }
0x161: {  	[sflag:s0] =	ssyncadd.s32 @!p0 s1  }
0x162: {  	[bflag:$0x3] =	sbarrier.arrive $0xFFFF  }
0x163: {  	_ =	shalt  }

</sc_bundles>
